<compile_context>
chip_gen: v7x
topology: tpu7x:2x2x1
jax: 0.10.2.dev20260603
libtpu: 0.0.44.dev20260713+nightly
codegen_flags: <defaults>
</compile_context>

<pallas_src>
import functools
import math

import jax
import jax.numpy as jnp
from jax import lax
from jax.experimental import pallas as pl
from jax.experimental.pallas import tpu as pltpu
from jax.experimental.pallas import tpu_sc as plsc

N_BINS = 8192
LOG_N_BINS = math.log(N_BINS)

NC = 2
NS = 16
NW = NC * NS
LANES = 16

IN_CHUNK = 32768
OUT_CHUNK = 16384
NBUF = 2
NHALF = IN_CHUNK // OUT_CHUNK


def _table_body(logits_ref, out_ref):
    l = logits_ref[...]
    m = jnp.max(l)
    lse = jnp.log(jnp.sum(jnp.exp(l - m))) + m
    out_ref[...] = l - lse + LOG_N_BINS


def _build_table(logits):
    l2d = logits.reshape(64, 128)
    out = pl.pallas_call(
        _table_body,
        out_shape=jax.ShapeDtypeStruct((64, 128), jnp.float32),
    )(l2d)
    return out.reshape(N_BINS)


def _sc_body(n_samples, x_hbm, tab_hbm, out_hbm, tab_v, x_v, out_v,
             sems_in, sems_out):
    per_w = n_samples // NW
    n_chunks = per_w // IN_CHUNK
    c = lax.axis_index("c")
    s = lax.axis_index("s")
    wid = s * NC + c
    base = wid * per_w

    pltpu.sync_copy(tab_hbm, tab_v)

    for b in range(NBUF):
        pltpu.async_copy(
            x_hbm.at[pl.ds(base + b * IN_CHUNK, IN_CHUNK)], x_v.at[b],
            sems_in.at[b])

    def ring_body(j, _):
        for b in range(NBUF):
            ch = j * NBUF + b
            off = base + ch * IN_CHUNK
            pltpu.make_async_copy(
                x_hbm.at[pl.ds(base, IN_CHUNK)], x_v.at[b], sems_in.at[b]).wait()
            for h in range(NHALF):
                @pl.when(ch > 0)
                def _():
                    pltpu.make_async_copy(
                        out_v.at[h], out_hbm.at[pl.ds(base, OUT_CHUNK)],
                        sems_out.at[h]).wait()

                hoff = h * OUT_CHUNK

                @plsc.parallel_loop(0, OUT_CHUNK, step=LANES, unroll=16)
                def _(i):
                    xv = x_v[b, pl.ds(hoff + i, LANES)]
                    idx = (xv * float(N_BINS)).astype(jnp.int32)
                    idx = jnp.minimum(jnp.maximum(idx, 0), N_BINS - 1)
                    out_v[h, pl.ds(i, LANES)] = plsc.load_gather(tab_v, [idx])

                pltpu.async_copy(
                    out_v.at[h], out_hbm.at[pl.ds(off + hoff, OUT_CHUNK)],
                    sems_out.at[h])
            @pl.when(ch + NBUF < n_chunks)
            def _():
                pltpu.async_copy(
                    x_hbm.at[pl.ds(off + NBUF * IN_CHUNK, IN_CHUNK)], x_v.at[b],
                    sems_in.at[b])
        return 0

    lax.fori_loop(0, n_chunks // NBUF, ring_body, 0)

    for h in range(NHALF):
        pltpu.make_async_copy(
            out_v.at[h], out_hbm.at[pl.ds(base, OUT_CHUNK)], sems_out.at[h]).wait()


def kernel(x, logits):
    n = x.shape[0]
    table = _build_table(logits)
    mesh = plsc.VectorSubcoreMesh(core_axis_name="c", subcore_axis_name="s")
    sc = pl.kernel(
        functools.partial(_sc_body, n),
        out_type=jax.ShapeDtypeStruct((n,), jnp.float32),
        mesh=mesh,
        compiler_params=pltpu.CompilerParams(needs_layout_passes=False),
        scratch_types=[
            pltpu.VMEM((N_BINS,), jnp.float32),
            pltpu.VMEM((NBUF, IN_CHUNK), jnp.float32),
            pltpu.VMEM((NHALF, OUT_CHUNK), jnp.float32),
            pltpu.SemaphoreType.DMA((NBUF,)),
            pltpu.SemaphoreType.DMA((NHALF,)),
        ],
    )
    return sc(x, table)

# --- scband reference (transcript-rebuilt; emitter-appended) ---
"""Pipeline reference for scband-piecewise-constant-generator-33998961115773 (READ-ONLY COPY).

The authoritative reference and input builder live on the scoring server;
editing this copy changes nothing except your own understanding.
"""

import jax, jax.numpy as jnp
import numpy as np

N_BINS = 8192
N_SAMPLES = 16777216


def setup_inputs(seed: int = 0) -> dict:
    key = jax.random.key(seed)
    k1, k2 = jax.random.split(key)
    x = jax.random.uniform(k1, (N_SAMPLES,), dtype=jnp.float32)
    logits = jax.random.normal(k2, (N_BINS,), dtype=jnp.float32) * 0.1
    return {"x": x, "logits": logits}


def reference(x, logits):
    n_bins = logits.shape[0]
    bin_width = 1.0 / n_bins
    probs = jax.nn.softmax(logits, axis=0)
    bin_idx = jnp.clip((x / bin_width).astype(jnp.int32), 0, n_bins - 1)
    log_p = jnp.log(jnp.take(probs, bin_idx, axis=0)) + np.log(n_bins)
    return log_p

if __name__ == "__main__":
    import jax
    _d = setup_inputs()
    print(jax.jit(kernel)(*tuple(_d.values())))

</pallas_src>

<mosaic_0001>
#map = affine_map<(d0, d1) -> (0)>
module attributes {stable_mosaic.version = 14 : i64} {
  func.func @_sc_body(%arg0: i32, %arg1: i32, %arg2: memref<16777216xf32, #tpu.memory_space<hbm>>, %arg3: memref<8192xf32, #tpu.memory_space<hbm>>, %arg4: memref<16777216xf32, #tpu.memory_space<hbm>>, %arg5: memref<8192xf32, #tpu.memory_space<vmem>>, %arg6: memref<2x32768xf32, #tpu.memory_space<vmem>>, %arg7: memref<2x16384xf32, #tpu.memory_space<vmem>>, %arg8: memref<2x!tpu.dma_semaphore, #tpu.memory_space<semaphore_mem>>, %arg9: memref<2x!tpu.dma_semaphore, #tpu.memory_space<semaphore_mem>>) attributes {dimension_semantics = [#tpu.dimension_semantics<core_parallel>, #tpu.dimension_semantics<subcore_parallel>], iteration_bounds = array<i64: 2, 16>, scalar_prefetch = 0 : i64, scratch_operands = 5 : i64, tpu.core_type = #tpu.core_type<sc_vector_subcore>, window_params = [{transform_indices = #map}, {transform_indices = #map}, {transform_indices = #map}]} {
    %mul3A = arith.constant 2 : i32
    %mul3A_0 = arith.muli %arg1, %mul3A : i32
    %add3A = arith.addi %mul3A_0, %arg0 : i32
    %mul3A_1 = arith.constant 524288 : i32
    %mul3A_2 = arith.muli %add3A, %mul3A_1 : i32
    "tpu.region"() ({
      %run_scoped3A = tpu.sem_alloc : memref<!tpu.dma_semaphore, #tpu.memory_space<semaphore_mem>>
      tpu.enqueue_dma source(%arg3 : memref<8192xf32, #tpu.memory_space<hbm>>) target(%arg5 : memref<8192xf32, #tpu.memory_space<vmem>>) target_semaphore(%run_scoped3A : memref<!tpu.dma_semaphore, #tpu.memory_space<semaphore_mem>>)
      tpu.wait_dma2 semaphore(%run_scoped3A : memref<!tpu.dma_semaphore, #tpu.memory_space<semaphore_mem>>) src(%arg3 : memref<8192xf32, #tpu.memory_space<hbm>>) dst(%arg5 : memref<8192xf32, #tpu.memory_space<vmem>>)
      tpu.yield
    }) : () -> ()
    %add3A_3 = arith.constant 0 : i32
    %add3A_4 = arith.addi %mul3A_2, %add3A_3 : i32
    %dma_start3A = arith.constant 0 : i32
    %dma_start3A_5 = arith.constant 0 : i32
    %dma_start3A_6 = arith.constant 0 : i32
    %dma_start3A_7 = tpu.memref_slice %arg6[%dma_start3A, %dma_start3A_6] : memref<2x32768xf32, #tpu.memory_space<vmem>> -> memref<1x32768xf32, #tpu.memory_space<vmem>>
    %dma_start3A_8 = tpu.memref_squeeze %dma_start3A_7 : memref<1x32768xf32, #tpu.memory_space<vmem>> -> memref<32768xf32, #tpu.memory_space<vmem>>
    %dma_start3A_9 = tpu.memref_slice %arg2[%add3A_4] : memref<16777216xf32, #tpu.memory_space<hbm>> -> memref<32768xf32, #tpu.memory_space<hbm>>
    %dma_start3A_10 = tpu.memref_slice %arg8[%dma_start3A_5] : memref<2x!tpu.dma_semaphore, #tpu.memory_space<semaphore_mem>> -> memref<1x!tpu.dma_semaphore, #tpu.memory_space<semaphore_mem>>
    %dma_start3A_11 = tpu.memref_squeeze %dma_start3A_10 : memref<1x!tpu.dma_semaphore, #tpu.memory_space<semaphore_mem>> -> memref<!tpu.dma_semaphore, #tpu.memory_space<semaphore_mem>>
    %dma_start3A_12 = arith.constant 0 : i32
    %dma_start3A_13 = tpu.memref_slice %arg6[%dma_start3A, %dma_start3A_12] : memref<2x32768xf32, #tpu.memory_space<vmem>> -> memref<1x32768xf32, #tpu.memory_space<vmem>>
    %dma_start3A_14 = tpu.memref_squeeze %dma_start3A_13 : memref<1x32768xf32, #tpu.memory_space<vmem>> -> memref<32768xf32, #tpu.memory_space<vmem>>
    %dma_start3A_15 = tpu.memref_slice %arg2[%add3A_4] : memref<16777216xf32, #tpu.memory_space<hbm>> -> memref<32768xf32, #tpu.memory_space<hbm>>
    tpu.enqueue_dma source(%dma_start3A_15 : memref<32768xf32, #tpu.memory_space<hbm>>) target(%dma_start3A_14 : memref<32768xf32, #tpu.memory_space<vmem>>) target_semaphore(%dma_start3A_11 : memref<!tpu.dma_semaphore, #tpu.memory_space<semaphore_mem>>)
    %add3A_16 = arith.constant 32768 : i32
    %add3A_17 = arith.addi %mul3A_2, %add3A_16 : i32
    %dma_start3A_18 = arith.constant 1 : i32
    %dma_start3A_19 = arith.constant 1 : i32
    %dma_start3A_20 = arith.constant 0 : i32
    %dma_start3A_21 = tpu.memref_slice %arg6[%dma_start3A_18, %dma_start3A_20] : memref<2x32768xf32, #tpu.memory_space<vmem>> -> memref<1x32768xf32, #tpu.memory_space<vmem>>
    %dma_start3A_22 = tpu.memref_squeeze %dma_start3A_21 : memref<1x32768xf32, #tpu.memory_space<vmem>> -> memref<32768xf32, #tpu.memory_space<vmem>>
    %dma_start3A_23 = tpu.memref_slice %arg2[%add3A_17] : memref<16777216xf32, #tpu.memory_space<hbm>> -> memref<32768xf32, #tpu.memory_space<hbm>>
    %dma_start3A_24 = tpu.memref_slice %arg8[%dma_start3A_19] : memref<2x!tpu.dma_semaphore, #tpu.memory_space<semaphore_mem>> -> memref<1x!tpu.dma_semaphore, #tpu.memory_space<semaphore_mem>>
    %dma_start3A_25 = tpu.memref_squeeze %dma_start3A_24 : memref<1x!tpu.dma_semaphore, #tpu.memory_space<semaphore_mem>> -> memref<!tpu.dma_semaphore, #tpu.memory_space<semaphore_mem>>
    %dma_start3A_26 = arith.constant 0 : i32
    %dma_start3A_27 = tpu.memref_slice %arg6[%dma_start3A_18, %dma_start3A_26] : memref<2x32768xf32, #tpu.memory_space<vmem>> -> memref<1x32768xf32, #tpu.memory_space<vmem>>
    %dma_start3A_28 = tpu.memref_squeeze %dma_start3A_27 : memref<1x32768xf32, #tpu.memory_space<vmem>> -> memref<32768xf32, #tpu.memory_space<vmem>>
    %dma_start3A_29 = tpu.memref_slice %arg2[%add3A_17] : memref<16777216xf32, #tpu.memory_space<hbm>> -> memref<32768xf32, #tpu.memory_space<hbm>>
    tpu.enqueue_dma source(%dma_start3A_29 : memref<32768xf32, #tpu.memory_space<hbm>>) target(%dma_start3A_28 : memref<32768xf32, #tpu.memory_space<vmem>>) target_semaphore(%dma_start3A_25 : memref<!tpu.dma_semaphore, #tpu.memory_space<semaphore_mem>>)
    %scan3A = arith.constant 0 : i32
    %scan3A_30 = arith.constant 0 : i32
    %scan3A_31 = arith.constant 8 : i32
    %scan3A_32 = arith.addi %scan3A_30, %scan3A_31 : i32
    %scan3A_33 = arith.constant 1 : i32
    %scan3A_34 = scf.for %scan3A_59 = %scan3A_30 to %scan3A_32 step %scan3A_33 iter_args(%scan3A_60 = %scan3A) -> (i32)  : i32 {
      %mul3A_61 = arith.constant 2 : i32
      %mul3A_62 = arith.muli %scan3A_59, %mul3A_61 : i32
      %add3A_63 = arith.constant 0 : i32
      %add3A_64 = arith.addi %mul3A_62, %add3A_63 : i32
      %mul3A_65 = arith.constant 32768 : i32
      %mul3A_66 = arith.muli %add3A_64, %mul3A_65 : i32
      %add3A_67 = arith.addi %mul3A_2, %mul3A_66 : i32
      %dma_wait3A_68 = arith.constant 0 : i32
      %dma_wait3A_69 = arith.constant 0 : i32
      %dma_wait3A_70 = arith.constant 0 : i32
      %dma_wait3A_71 = tpu.memref_slice %arg6[%dma_wait3A_68, %dma_wait3A_70] : memref<2x32768xf32, #tpu.memory_space<vmem>> -> memref<1x32768xf32, #tpu.memory_space<vmem>>
      %dma_wait3A_72 = tpu.memref_squeeze %dma_wait3A_71 : memref<1x32768xf32, #tpu.memory_space<vmem>> -> memref<32768xf32, #tpu.memory_space<vmem>>
      %dma_wait3A_73 = tpu.memref_slice %arg2[%mul3A_2] : memref<16777216xf32, #tpu.memory_space<hbm>> -> memref<32768xf32, #tpu.memory_space<hbm>>
      %dma_wait3A_74 = tpu.memref_slice %arg8[%dma_wait3A_69] : memref<2x!tpu.dma_semaphore, #tpu.memory_space<semaphore_mem>> -> memref<1x!tpu.dma_semaphore, #tpu.memory_space<semaphore_mem>>
      %dma_wait3A_75 = tpu.memref_squeeze %dma_wait3A_74 : memref<1x!tpu.dma_semaphore, #tpu.memory_space<semaphore_mem>> -> memref<!tpu.dma_semaphore, #tpu.memory_space<semaphore_mem>>
      %dma_wait3A_76 = arith.constant 0 : i32
      %dma_wait3A_77 = tpu.memref_slice %arg6[%dma_wait3A_68, %dma_wait3A_76] : memref<2x32768xf32, #tpu.memory_space<vmem>> -> memref<1x32768xf32, #tpu.memory_space<vmem>>
      %dma_wait3A_78 = tpu.memref_squeeze %dma_wait3A_77 : memref<1x32768xf32, #tpu.memory_space<vmem>> -> memref<32768xf32, #tpu.memory_space<vmem>>
      %dma_wait3A_79 = tpu.memref_slice %arg2[%mul3A_2] : memref<16777216xf32, #tpu.memory_space<hbm>> -> memref<32768xf32, #tpu.memory_space<hbm>>
      tpu.wait_dma2 semaphore(%dma_wait3A_75 : memref<!tpu.dma_semaphore, #tpu.memory_space<semaphore_mem>>) src(%dma_wait3A_79 : memref<32768xf32, #tpu.memory_space<hbm>>) dst(%dma_wait3A_78 : memref<32768xf32, #tpu.memory_space<vmem>>)
      %gt3A = arith.constant 0 : i32
      %gt3A_80 = arith.cmpi sgt, %add3A_64, %gt3A : i32
      %convert_element_type3A = arith.extui %gt3A_80 : i1 to i32
      %cond3A = arith.constant 0 : i32
      %cond3A_81 = arith.cmpi ne, %convert_element_type3A, %cond3A : i32
      scf.if %cond3A_81 {
        %dma_wait3A_197 = arith.constant 0 : i32
        %dma_wait3A_198 = arith.constant 0 : i32
        %dma_wait3A_199 = arith.constant 0 : i32
        %dma_wait3A_200 = tpu.memref_slice %arg7[%dma_wait3A_197, %dma_wait3A_199] : memref<2x16384xf32, #tpu.memory_space<vmem>> -> memref<1x16384xf32, #tpu.memory_space<vmem>>
        %dma_wait3A_201 = tpu.memref_squeeze %dma_wait3A_200 : memref<1x16384xf32, #tpu.memory_space<vmem>> -> memref<16384xf32, #tpu.memory_space<vmem>>
        %dma_wait3A_202 = tpu.memref_slice %arg4[%mul3A_2] : memref<16777216xf32, #tpu.memory_space<hbm>> -> memref<16384xf32, #tpu.memory_space<hbm>>
        %dma_wait3A_203 = tpu.memref_slice %arg9[%dma_wait3A_198] : memref<2x!tpu.dma_semaphore, #tpu.memory_space<semaphore_mem>> -> memref<1x!tpu.dma_semaphore, #tpu.memory_space<semaphore_mem>>
        %dma_wait3A_204 = tpu.memref_squeeze %dma_wait3A_203 : memref<1x!tpu.dma_semaphore, #tpu.memory_space<semaphore_mem>> -> memref<!tpu.dma_semaphore, #tpu.memory_space<semaphore_mem>>
        %dma_wait3A_205 = tpu.memref_slice %arg4[%mul3A_2] : memref<16777216xf32, #tpu.memory_space<hbm>> -> memref<16384xf32, #tpu.memory_space<hbm>>
        %dma_wait3A_206 = arith.constant 0 : i32
        %dma_wait3A_207 = tpu.memref_slice %arg7[%dma_wait3A_197, %dma_wait3A_206] : memref<2x16384xf32, #tpu.memory_space<vmem>> -> memref<1x16384xf32, #tpu.memory_space<vmem>>
        %dma_wait3A_208 = tpu.memref_squeeze %dma_wait3A_207 : memref<1x16384xf32, #tpu.memory_space<vmem>> -> memref<16384xf32, #tpu.memory_space<vmem>>
        tpu.wait_dma2 semaphore(%dma_wait3A_204 : memref<!tpu.dma_semaphore, #tpu.memory_space<semaphore_mem>>) src(%dma_wait3A_208 : memref<16384xf32, #tpu.memory_space<vmem>>) dst(%dma_wait3A_205 : memref<16384xf32, #tpu.memory_space<hbm>>)
      } else {
      }
      %parallel_loop3A = arith.constant 0 : i32
      %parallel_loop3A_82 = arith.constant 16384 : i32
      %parallel_loop3A_83 = arith.constant 16 : i32
      scf.for %parallel_loop3A_197 = %parallel_loop3A to %parallel_loop3A_82 step %parallel_loop3A_83  : i32 {
        %parallel_loop3A_198 = arith.constant 0 : i32
        %parallel_loop3A_199 = arith.addi %parallel_loop3A_198, %parallel_loop3A_197 : i32
        %parallel_loop3A_200 = arith.constant 0 : i32
        %parallel_loop3A_201 = arith.index_cast %parallel_loop3A_200 : i32 to index
        %parallel_loop3A_202 = arith.index_cast %parallel_loop3A_199 : i32 to index
        %parallel_loop3A_203 = tpu.vector_load %arg6[%parallel_loop3A_201, %parallel_loop3A_202] {strides = array<i32>} : memref<2x32768xf32, #tpu.memory_space<vmem>>, vector<16xf32>,
        %parallel_loop3A_204 = arith.constant 8.192000e+03 : f32
        %parallel_loop3A_205 = vector.broadcast %parallel_loop3A_204 : f32 to vector<16xf32>
        %parallel_loop3A_206 = arith.mulf %parallel_loop3A_203, %parallel_loop3A_205 : vector<16xf32>
        %parallel_loop3A_207 = arith.fptosi %parallel_loop3A_206 : vector<16xf32> to vector<16xi32>
        %parallel_loop3A_208 = arith.constant 0 : i32
        %parallel_loop3A_209 = vector.broadcast %parallel_loop3A_208 : i32 to vector<16xi32>
        %parallel_loop3A_210 = arith.maxsi %parallel_loop3A_207, %parallel_loop3A_209 : vector<16xi32>
        %parallel_loop3A_211 = arith.constant 8191 : i32
        %parallel_loop3A_212 = vector.broadcast %parallel_loop3A_211 : i32 to vector<16xi32>
        %parallel_loop3A_213 = arith.minsi %parallel_loop3A_210, %parallel_loop3A_212 : vector<16xi32>
        %parallel_loop3A_214 = tpu.vector_load_idx %arg5[%parallel_loop3A_213] : memref<8192xf32, #tpu.memory_space<vmem>>[vector<16xi32>], vector<16xf32>,
        %parallel_loop3A_215 = arith.constant 0 : i32
        %parallel_loop3A_216 = arith.index_cast %parallel_loop3A_215 : i32 to index
        %parallel_loop3A_217 = arith.index_cast %parallel_loop3A_197 : i32 to index
        %parallel_loop3A_218 = tpu.vector_load %arg7[%parallel_loop3A_216, %parallel_loop3A_217] {strides = array<i32>} : memref<2x16384xf32, #tpu.memory_space<vmem>>, vector<16xf32>,
        tpu.vector_store %arg7[%parallel_loop3A_216, %parallel_loop3A_217], %parallel_loop3A_214 {strides = array<i32>} : memref<2x16384xf32, #tpu.memory_space<vmem>>, vector<16xf32>,
      } {sc.loop_unroll_factor = 16 : i64, sc.parallel_access}
      %add3A_84 = arith.constant 0 : i32
      %add3A_85 = arith.addi %add3A_67, %add3A_84 : i32
      %dma_start3A_86 = arith.constant 0 : i32
      %dma_start3A_87 = arith.constant 0 : i32
      %dma_start3A_88 = arith.constant 0 : i32
      %dma_start3A_89 = tpu.memref_slice %arg7[%dma_start3A_86, %dma_start3A_88] : memref<2x16384xf32, #tpu.memory_space<vmem>> -> memref<1x16384xf32, #tpu.memory_space<vmem>>
      %dma_start3A_90 = tpu.memref_squeeze %dma_start3A_89 : memref<1x16384xf32, #tpu.memory_space<vmem>> -> memref<16384xf32, #tpu.memory_space<vmem>>
      %dma_start3A_91 = tpu.memref_slice %arg4[%add3A_85] : memref<16777216xf32, #tpu.memory_space<hbm>> -> memref<16384xf32, #tpu.memory_space<hbm>>
      %dma_start3A_92 = tpu.memref_slice %arg9[%dma_start3A_87] : memref<2x!tpu.dma_semaphore, #tpu.memory_space<semaphore_mem>> -> memref<1x!tpu.dma_semaphore, #tpu.memory_space<semaphore_mem>>
      %dma_start3A_93 = tpu.memref_squeeze %dma_start3A_92 : memref<1x!tpu.dma_semaphore, #tpu.memory_space<semaphore_mem>> -> memref<!tpu.dma_semaphore, #tpu.memory_space<semaphore_mem>>
      %dma_start3A_94 = tpu.memref_slice %arg4[%add3A_85] : memref<16777216xf32, #tpu.memory_space<hbm>> -> memref<16384xf32, #tpu.memory_space<hbm>>
      %dma_start3A_95 = arith.constant 0 : i32
      %dma_start3A_96 = tpu.memref_slice %arg7[%dma_start3A_86, %dma_start3A_95] : memref<2x16384xf32, #tpu.memory_space<vmem>> -> memref<1x16384xf32, #tpu.memory_space<vmem>>
      %dma_start3A_97 = tpu.memref_squeeze %dma_start3A_96 : memref<1x16384xf32, #tpu.memory_space<vmem>> -> memref<16384xf32, #tpu.memory_space<vmem>>
      tpu.enqueue_dma source(%dma_start3A_97 : memref<16384xf32, #tpu.memory_space<vmem>>) target(%dma_start3A_94 : memref<16384xf32, #tpu.memory_space<hbm>>) target_semaphore(%dma_start3A_93 : memref<!tpu.dma_semaphore, #tpu.memory_space<semaphore_mem>>)
      %gt3A_98 = arith.constant 0 : i32
      %gt3A_99 = arith.cmpi sgt, %add3A_64, %gt3A_98 : i32
      %convert_element_type3A_100 = arith.extui %gt3A_99 : i1 to i32
      %cond3A_101 = arith.constant 0 : i32
      %cond3A_102 = arith.cmpi ne, %convert_element_type3A_100, %cond3A_101 : i32
      scf.if %cond3A_102 {
        %dma_wait3A_197 = arith.constant 1 : i32
        %dma_wait3A_198 = arith.constant 1 : i32
        %dma_wait3A_199 = arith.constant 0 : i32
        %dma_wait3A_200 = tpu.memref_slice %arg7[%dma_wait3A_197, %dma_wait3A_199] : memref<2x16384xf32, #tpu.memory_space<vmem>> -> memref<1x16384xf32, #tpu.memory_space<vmem>>
        %dma_wait3A_201 = tpu.memref_squeeze %dma_wait3A_200 : memref<1x16384xf32, #tpu.memory_space<vmem>> -> memref<16384xf32, #tpu.memory_space<vmem>>
        %dma_wait3A_202 = tpu.memref_slice %arg4[%mul3A_2] : memref<16777216xf32, #tpu.memory_space<hbm>> -> memref<16384xf32, #tpu.memory_space<hbm>>
        %dma_wait3A_203 = tpu.memref_slice %arg9[%dma_wait3A_198] : memref<2x!tpu.dma_semaphore, #tpu.memory_space<semaphore_mem>> -> memref<1x!tpu.dma_semaphore, #tpu.memory_space<semaphore_mem>>
        %dma_wait3A_204 = tpu.memref_squeeze %dma_wait3A_203 : memref<1x!tpu.dma_semaphore, #tpu.memory_space<semaphore_mem>> -> memref<!tpu.dma_semaphore, #tpu.memory_space<semaphore_mem>>
        %dma_wait3A_205 = tpu.memref_slice %arg4[%mul3A_2] : memref<16777216xf32, #tpu.memory_space<hbm>> -> memref<16384xf32, #tpu.memory_space<hbm>>
        %dma_wait3A_206 = arith.constant 0 : i32
        %dma_wait3A_207 = tpu.memref_slice %arg7[%dma_wait3A_197, %dma_wait3A_206] : memref<2x16384xf32, #tpu.memory_space<vmem>> -> memref<1x16384xf32, #tpu.memory_space<vmem>>
        %dma_wait3A_208 = tpu.memref_squeeze %dma_wait3A_207 : memref<1x16384xf32, #tpu.memory_space<vmem>> -> memref<16384xf32, #tpu.memory_space<vmem>>
        tpu.wait_dma2 semaphore(%dma_wait3A_204 : memref<!tpu.dma_semaphore, #tpu.memory_space<semaphore_mem>>) src(%dma_wait3A_208 : memref<16384xf32, #tpu.memory_space<vmem>>) dst(%dma_wait3A_205 : memref<16384xf32, #tpu.memory_space<hbm>>)
      } else {
      }
      %parallel_loop3A_103 = arith.constant 0 : i32
      %parallel_loop3A_104 = arith.constant 16384 : i32
      %parallel_loop3A_105 = arith.constant 16 : i32
      scf.for %parallel_loop3A_197 = %parallel_loop3A_103 to %parallel_loop3A_104 step %parallel_loop3A_105  : i32 {
        %parallel_loop3A_198 = arith.constant 16384 : i32
        %parallel_loop3A_199 = arith.addi %parallel_loop3A_198, %parallel_loop3A_197 : i32
        %parallel_loop3A_200 = arith.constant 0 : i32
        %parallel_loop3A_201 = arith.index_cast %parallel_loop3A_200 : i32 to index
        %parallel_loop3A_202 = arith.index_cast %parallel_loop3A_199 : i32 to index
        %parallel_loop3A_203 = tpu.vector_load %arg6[%parallel_loop3A_201, %parallel_loop3A_202] {strides = array<i32>} : memref<2x32768xf32, #tpu.memory_space<vmem>>, vector<16xf32>,
        %parallel_loop3A_204 = arith.constant 8.192000e+03 : f32
        %parallel_loop3A_205 = vector.broadcast %parallel_loop3A_204 : f32 to vector<16xf32>
        %parallel_loop3A_206 = arith.mulf %parallel_loop3A_203, %parallel_loop3A_205 : vector<16xf32>
        %parallel_loop3A_207 = arith.fptosi %parallel_loop3A_206 : vector<16xf32> to vector<16xi32>
        %parallel_loop3A_208 = arith.constant 0 : i32
        %parallel_loop3A_209 = vector.broadcast %parallel_loop3A_208 : i32 to vector<16xi32>
        %parallel_loop3A_210 = arith.maxsi %parallel_loop3A_207, %parallel_loop3A_209 : vector<16xi32>
        %parallel_loop3A_211 = arith.constant 8191 : i32
        %parallel_loop3A_212 = vector.broadcast %parallel_loop3A_211 : i32 to vector<16xi32>
        %parallel_loop3A_213 = arith.minsi %parallel_loop3A_210, %parallel_loop3A_212 : vector<16xi32>
        %parallel_loop3A_214 = tpu.vector_load_idx %arg5[%parallel_loop3A_213] : memref<8192xf32, #tpu.memory_space<vmem>>[vector<16xi32>], vector<16xf32>,
        %parallel_loop3A_215 = arith.constant 1 : i32
        %parallel_loop3A_216 = arith.index_cast %parallel_loop3A_215 : i32 to index
        %parallel_loop3A_217 = arith.index_cast %parallel_loop3A_197 : i32 to index
        %parallel_loop3A_218 = tpu.vector_load %arg7[%parallel_loop3A_216, %parallel_loop3A_217] {strides = array<i32>} : memref<2x16384xf32, #tpu.memory_space<vmem>>, vector<16xf32>,
        tpu.vector_store %arg7[%parallel_loop3A_216, %parallel_loop3A_217], %parallel_loop3A_214 {strides = array<i32>} : memref<2x16384xf32, #tpu.memory_space<vmem>>, vector<16xf32>,
      } {sc.loop_unroll_factor = 16 : i64, sc.parallel_access}
      %add3A_106 = arith.constant 16384 : i32
      %add3A_107 = arith.addi %add3A_67, %add3A_106 : i32
      %dma_start3A_108 = arith.constant 1 : i32
      %dma_start3A_109 = arith.constant 1 : i32
      %dma_start3A_110 = arith.constant 0 : i32
      %dma_start3A_111 = tpu.memref_slice %arg7[%dma_start3A_108, %dma_start3A_110] : memref<2x16384xf32, #tpu.memory_space<vmem>> -> memref<1x16384xf32, #tpu.memory_space<vmem>>
      %dma_start3A_112 = tpu.memref_squeeze %dma_start3A_111 : memref<1x16384xf32, #tpu.memory_space<vmem>> -> memref<16384xf32, #tpu.memory_space<vmem>>
      %dma_start3A_113 = tpu.memref_slice %arg4[%add3A_107] : memref<16777216xf32, #tpu.memory_space<hbm>> -> memref<16384xf32, #tpu.memory_space<hbm>>
      %dma_start3A_114 = tpu.memref_slice %arg9[%dma_start3A_109] : memref<2x!tpu.dma_semaphore, #tpu.memory_space<semaphore_mem>> -> memref<1x!tpu.dma_semaphore, #tpu.memory_space<semaphore_mem>>
      %dma_start3A_115 = tpu.memref_squeeze %dma_start3A_114 : memref<1x!tpu.dma_semaphore, #tpu.memory_space<semaphore_mem>> -> memref<!tpu.dma_semaphore, #tpu.memory_space<semaphore_mem>>
      %dma_start3A_116 = tpu.memref_slice %arg4[%add3A_107] : memref<16777216xf32, #tpu.memory_space<hbm>> -> memref<16384xf32, #tpu.memory_space<hbm>>
      %dma_start3A_117 = arith.constant 0 : i32
      %dma_start3A_118 = tpu.memref_slice %arg7[%dma_start3A_108, %dma_start3A_117] : memref<2x16384xf32, #tpu.memory_space<vmem>> -> memref<1x16384xf32, #tpu.memory_space<vmem>>
      %dma_start3A_119 = tpu.memref_squeeze %dma_start3A_118 : memref<1x16384xf32, #tpu.memory_space<vmem>> -> memref<16384xf32, #tpu.memory_space<vmem>>
      tpu.enqueue_dma source(%dma_start3A_119 : memref<16384xf32, #tpu.memory_space<vmem>>) target(%dma_start3A_116 : memref<16384xf32, #tpu.memory_space<hbm>>) target_semaphore(%dma_start3A_115 : memref<!tpu.dma_semaphore, #tpu.memory_space<semaphore_mem>>)
      %add3A_120 = arith.constant 2 : i32
      %add3A_121 = arith.addi %add3A_64, %add3A_120 : i32
      %lt3A = arith.constant 16 : i32
      %lt3A_122 = arith.cmpi slt, %add3A_121, %lt3A : i32
      %convert_element_type3A_123 = arith.extui %lt3A_122 : i1 to i32
      %cond3A_124 = arith.constant 0 : i32
      %cond3A_125 = arith.cmpi ne, %convert_element_type3A_123, %cond3A_124 : i32
      scf.if %cond3A_125 {
        %add3A_197 = arith.constant 65536 : i32
        %add3A_198 = arith.addi %add3A_67, %add3A_197 : i32
        %dma_start3A_199 = arith.constant 0 : i32
        %dma_start3A_200 = arith.constant 0 : i32
        %dma_start3A_201 = arith.constant 0 : i32
        %dma_start3A_202 = tpu.memref_slice %arg6[%dma_start3A_199, %dma_start3A_201] : memref<2x32768xf32, #tpu.memory_space<vmem>> -> memref<1x32768xf32, #tpu.memory_space<vmem>>
        %dma_start3A_203 = tpu.memref_squeeze %dma_start3A_202 : memref<1x32768xf32, #tpu.memory_space<vmem>> -> memref<32768xf32, #tpu.memory_space<vmem>>
        %dma_start3A_204 = tpu.memref_slice %arg2[%add3A_198] : memref<16777216xf32, #tpu.memory_space<hbm>> -> memref<32768xf32, #tpu.memory_space<hbm>>
        %dma_start3A_205 = tpu.memref_slice %arg8[%dma_start3A_200] : memref<2x!tpu.dma_semaphore, #tpu.memory_space<semaphore_mem>> -> memref<1x!tpu.dma_semaphore, #tpu.memory_space<semaphore_mem>>
        %dma_start3A_206 = tpu.memref_squeeze %dma_start3A_205 : memref<1x!tpu.dma_semaphore, #tpu.memory_space<semaphore_mem>> -> memref<!tpu.dma_semaphore, #tpu.memory_space<semaphore_mem>>
        %dma_start3A_207 = arith.constant 0 : i32
        %dma_start3A_208 = tpu.memref_slice %arg6[%dma_start3A_199, %dma_start3A_207] : memref<2x32768xf32, #tpu.memory_space<vmem>> -> memref<1x32768xf32, #tpu.memory_space<vmem>>
        %dma_start3A_209 = tpu.memref_squeeze %dma_start3A_208 : memref<1x32768xf32, #tpu.memory_space<vmem>> -> memref<32768xf32, #tpu.memory_space<vmem>>
        %dma_start3A_210 = tpu.memref_slice %arg2[%add3A_198] : memref<16777216xf32, #tpu.memory_space<hbm>> -> memref<32768xf32, #tpu.memory_space<hbm>>
        tpu.enqueue_dma source(%dma_start3A_210 : memref<32768xf32, #tpu.memory_space<hbm>>) target(%dma_start3A_209 : memref<32768xf32, #tpu.memory_space<vmem>>) target_semaphore(%dma_start3A_206 : memref<!tpu.dma_semaphore, #tpu.memory_space<semaphore_mem>>)
      } else {
      }
      %mul3A_126 = arith.constant 2 : i32
      %mul3A_127 = arith.muli %scan3A_59, %mul3A_126 : i32
      %add3A_128 = arith.constant 1 : i32
      %add3A_129 = arith.addi %mul3A_127, %add3A_128 : i32
      %mul3A_130 = arith.constant 32768 : i32
      %mul3A_131 = arith.muli %add3A_129, %mul3A_130 : i32
      %add3A_132 = arith.addi %mul3A_2, %mul3A_131 : i32
      %dma_wait3A_133 = arith.constant 1 : i32
      %dma_wait3A_134 = arith.constant 1 : i32
      %dma_wait3A_135 = arith.constant 0 : i32
      %dma_wait3A_136 = tpu.memref_slice %arg6[%dma_wait3A_133, %dma_wait3A_135] : memref<2x32768xf32, #tpu.memory_space<vmem>> -> memref<1x32768xf32, #tpu.memory_space<vmem>>
      %dma_wait3A_137 = tpu.memref_squeeze %dma_wait3A_136 : memref<1x32768xf32, #tpu.memory_space<vmem>> -> memref<32768xf32, #tpu.memory_space<vmem>>
      %dma_wait3A_138 = tpu.memref_slice %arg2[%mul3A_2] : memref<16777216xf32, #tpu.memory_space<hbm>> -> memref<32768xf32, #tpu.memory_space<hbm>>
      %dma_wait3A_139 = tpu.memref_slice %arg8[%dma_wait3A_134] : memref<2x!tpu.dma_semaphore, #tpu.memory_space<semaphore_mem>> -> memref<1x!tpu.dma_semaphore, #tpu.memory_space<semaphore_mem>>
      %dma_wait3A_140 = tpu.memref_squeeze %dma_wait3A_139 : memref<1x!tpu.dma_semaphore, #tpu.memory_space<semaphore_mem>> -> memref<!tpu.dma_semaphore, #tpu.memory_space<semaphore_mem>>
      %dma_wait3A_141 = arith.constant 0 : i32
      %dma_wait3A_142 = tpu.memref_slice %arg6[%dma_wait3A_133, %dma_wait3A_141] : memref<2x32768xf32, #tpu.memory_space<vmem>> -> memref<1x32768xf32, #tpu.memory_space<vmem>>
      %dma_wait3A_143 = tpu.memref_squeeze %dma_wait3A_142 : memref<1x32768xf32, #tpu.memory_space<vmem>> -> memref<32768xf32, #tpu.memory_space<vmem>>
      %dma_wait3A_144 = tpu.memref_slice %arg2[%mul3A_2] : memref<16777216xf32, #tpu.memory_space<hbm>> -> memref<32768xf32, #tpu.memory_space<hbm>>
      tpu.wait_dma2 semaphore(%dma_wait3A_140 : memref<!tpu.dma_semaphore, #tpu.memory_space<semaphore_mem>>) src(%dma_wait3A_144 : memref<32768xf32, #tpu.memory_space<hbm>>) dst(%dma_wait3A_143 : memref<32768xf32, #tpu.memory_space<vmem>>)
      %gt3A_145 = arith.constant 0 : i32
      %gt3A_146 = arith.cmpi sgt, %add3A_129, %gt3A_145 : i32
      %convert_element_type3A_147 = arith.extui %gt3A_146 : i1 to i32
      %cond3A_148 = arith.constant 0 : i32
      %cond3A_149 = arith.cmpi ne, %convert_element_type3A_147, %cond3A_148 : i32
      scf.if %cond3A_149 {
        %dma_wait3A_197 = arith.constant 0 : i32
        %dma_wait3A_198 = arith.constant 0 : i32
        %dma_wait3A_199 = arith.constant 0 : i32
        %dma_wait3A_200 = tpu.memref_slice %arg7[%dma_wait3A_197, %dma_wait3A_199] : memref<2x16384xf32, #tpu.memory_space<vmem>> -> memref<1x16384xf32, #tpu.memory_space<vmem>>
        %dma_wait3A_201 = tpu.memref_squeeze %dma_wait3A_200 : memref<1x16384xf32, #tpu.memory_space<vmem>> -> memref<16384xf32, #tpu.memory_space<vmem>>
        %dma_wait3A_202 = tpu.memref_slice %arg4[%mul3A_2] : memref<16777216xf32, #tpu.memory_space<hbm>> -> memref<16384xf32, #tpu.memory_space<hbm>>
        %dma_wait3A_203 = tpu.memref_slice %arg9[%dma_wait3A_198] : memref<2x!tpu.dma_semaphore, #tpu.memory_space<semaphore_mem>> -> memref<1x!tpu.dma_semaphore, #tpu.memory_space<semaphore_mem>>
        %dma_wait3A_204 = tpu.memref_squeeze %dma_wait3A_203 : memref<1x!tpu.dma_semaphore, #tpu.memory_space<semaphore_mem>> -> memref<!tpu.dma_semaphore, #tpu.memory_space<semaphore_mem>>
        %dma_wait3A_205 = tpu.memref_slice %arg4[%mul3A_2] : memref<16777216xf32, #tpu.memory_space<hbm>> -> memref<16384xf32, #tpu.memory_space<hbm>>
        %dma_wait3A_206 = arith.constant 0 : i32
        %dma_wait3A_207 = tpu.memref_slice %arg7[%dma_wait3A_197, %dma_wait3A_206] : memref<2x16384xf32, #tpu.memory_space<vmem>> -> memref<1x16384xf32, #tpu.memory_space<vmem>>
        %dma_wait3A_208 = tpu.memref_squeeze %dma_wait3A_207 : memref<1x16384xf32, #tpu.memory_space<vmem>> -> memref<16384xf32, #tpu.memory_space<vmem>>
        tpu.wait_dma2 semaphore(%dma_wait3A_204 : memref<!tpu.dma_semaphore, #tpu.memory_space<semaphore_mem>>) src(%dma_wait3A_208 : memref<16384xf32, #tpu.memory_space<vmem>>) dst(%dma_wait3A_205 : memref<16384xf32, #tpu.memory_space<hbm>>)
      } else {
      }
      %parallel_loop3A_150 = arith.constant 0 : i32
      %parallel_loop3A_151 = arith.constant 16384 : i32
      %parallel_loop3A_152 = arith.constant 16 : i32
      scf.for %parallel_loop3A_197 = %parallel_loop3A_150 to %parallel_loop3A_151 step %parallel_loop3A_152  : i32 {
        %parallel_loop3A_198 = arith.constant 0 : i32
        %parallel_loop3A_199 = arith.addi %parallel_loop3A_198, %parallel_loop3A_197 : i32
        %parallel_loop3A_200 = arith.constant 1 : i32
        %parallel_loop3A_201 = arith.index_cast %parallel_loop3A_200 : i32 to index
        %parallel_loop3A_202 = arith.index_cast %parallel_loop3A_199 : i32 to index
        %parallel_loop3A_203 = tpu.vector_load %arg6[%parallel_loop3A_201, %parallel_loop3A_202] {strides = array<i32>} : memref<2x32768xf32, #tpu.memory_space<vmem>>, vector<16xf32>,
        %parallel_loop3A_204 = arith.constant 8.192000e+03 : f32
        %parallel_loop3A_205 = vector.broadcast %parallel_loop3A_204 : f32 to vector<16xf32>
        %parallel_loop3A_206 = arith.mulf %parallel_loop3A_203, %parallel_loop3A_205 : vector<16xf32>
        %parallel_loop3A_207 = arith.fptosi %parallel_loop3A_206 : vector<16xf32> to vector<16xi32>
        %parallel_loop3A_208 = arith.constant 0 : i32
        %parallel_loop3A_209 = vector.broadcast %parallel_loop3A_208 : i32 to vector<16xi32>
        %parallel_loop3A_210 = arith.maxsi %parallel_loop3A_207, %parallel_loop3A_209 : vector<16xi32>
        %parallel_loop3A_211 = arith.constant 8191 : i32
        %parallel_loop3A_212 = vector.broadcast %parallel_loop3A_211 : i32 to vector<16xi32>
        %parallel_loop3A_213 = arith.minsi %parallel_loop3A_210, %parallel_loop3A_212 : vector<16xi32>
        %parallel_loop3A_214 = tpu.vector_load_idx %arg5[%parallel_loop3A_213] : memref<8192xf32, #tpu.memory_space<vmem>>[vector<16xi32>], vector<16xf32>,
        %parallel_loop3A_215 = arith.constant 0 : i32
        %parallel_loop3A_216 = arith.index_cast %parallel_loop3A_215 : i32 to index
        %parallel_loop3A_217 = arith.index_cast %parallel_loop3A_197 : i32 to index
        %parallel_loop3A_218 = tpu.vector_load %arg7[%parallel_loop3A_216, %parallel_loop3A_217] {strides = array<i32>} : memref<2x16384xf32, #tpu.memory_space<vmem>>, vector<16xf32>,
        tpu.vector_store %arg7[%parallel_loop3A_216, %parallel_loop3A_217], %parallel_loop3A_214 {strides = array<i32>} : memref<2x16384xf32, #tpu.memory_space<vmem>>, vector<16xf32>,
      } {sc.loop_unroll_factor = 16 : i64, sc.parallel_access}
      %add3A_153 = arith.constant 0 : i32
      %add3A_154 = arith.addi %add3A_132, %add3A_153 : i32
      %dma_start3A_155 = arith.constant 0 : i32
      %dma_start3A_156 = arith.constant 0 : i32
      %dma_start3A_157 = arith.constant 0 : i32
      %dma_start3A_158 = tpu.memref_slice %arg7[%dma_start3A_155, %dma_start3A_157] : memref<2x16384xf32, #tpu.memory_space<vmem>> -> memref<1x16384xf32, #tpu.memory_space<vmem>>
      %dma_start3A_159 = tpu.memref_squeeze %dma_start3A_158 : memref<1x16384xf32, #tpu.memory_space<vmem>> -> memref<16384xf32, #tpu.memory_space<vmem>>
      %dma_start3A_160 = tpu.memref_slice %arg4[%add3A_154] : memref<16777216xf32, #tpu.memory_space<hbm>> -> memref<16384xf32, #tpu.memory_space<hbm>>
      %dma_start3A_161 = tpu.memref_slice %arg9[%dma_start3A_156] : memref<2x!tpu.dma_semaphore, #tpu.memory_space<semaphore_mem>> -> memref<1x!tpu.dma_semaphore, #tpu.memory_space<semaphore_mem>>
      %dma_start3A_162 = tpu.memref_squeeze %dma_start3A_161 : memref<1x!tpu.dma_semaphore, #tpu.memory_space<semaphore_mem>> -> memref<!tpu.dma_semaphore, #tpu.memory_space<semaphore_mem>>
      %dma_start3A_163 = tpu.memref_slice %arg4[%add3A_154] : memref<16777216xf32, #tpu.memory_space<hbm>> -> memref<16384xf32, #tpu.memory_space<hbm>>
      %dma_start3A_164 = arith.constant 0 : i32
      %dma_start3A_165 = tpu.memref_slice %arg7[%dma_start3A_155, %dma_start3A_164] : memref<2x16384xf32, #tpu.memory_space<vmem>> -> memref<1x16384xf32, #tpu.memory_space<vmem>>
      %dma_start3A_166 = tpu.memref_squeeze %dma_start3A_165 : memref<1x16384xf32, #tpu.memory_space<vmem>> -> memref<16384xf32, #tpu.memory_space<vmem>>
      tpu.enqueue_dma source(%dma_start3A_166 : memref<16384xf32, #tpu.memory_space<vmem>>) target(%dma_start3A_163 : memref<16384xf32, #tpu.memory_space<hbm>>) target_semaphore(%dma_start3A_162 : memref<!tpu.dma_semaphore, #tpu.memory_space<semaphore_mem>>)
      %gt3A_167 = arith.constant 0 : i32
      %gt3A_168 = arith.cmpi sgt, %add3A_129, %gt3A_167 : i32
      %convert_element_type3A_169 = arith.extui %gt3A_168 : i1 to i32
      %cond3A_170 = arith.constant 0 : i32
      %cond3A_171 = arith.cmpi ne, %convert_element_type3A_169, %cond3A_170 : i32
      scf.if %cond3A_171 {
        %dma_wait3A_197 = arith.constant 1 : i32
        %dma_wait3A_198 = arith.constant 1 : i32
        %dma_wait3A_199 = arith.constant 0 : i32
        %dma_wait3A_200 = tpu.memref_slice %arg7[%dma_wait3A_197, %dma_wait3A_199] : memref<2x16384xf32, #tpu.memory_space<vmem>> -> memref<1x16384xf32, #tpu.memory_space<vmem>>
        %dma_wait3A_201 = tpu.memref_squeeze %dma_wait3A_200 : memref<1x16384xf32, #tpu.memory_space<vmem>> -> memref<16384xf32, #tpu.memory_space<vmem>>
        %dma_wait3A_202 = tpu.memref_slice %arg4[%mul3A_2] : memref<16777216xf32, #tpu.memory_space<hbm>> -> memref<16384xf32, #tpu.memory_space<hbm>>
        %dma_wait3A_203 = tpu.memref_slice %arg9[%dma_wait3A_198] : memref<2x!tpu.dma_semaphore, #tpu.memory_space<semaphore_mem>> -> memref<1x!tpu.dma_semaphore, #tpu.memory_space<semaphore_mem>>
        %dma_wait3A_204 = tpu.memref_squeeze %dma_wait3A_203 : memref<1x!tpu.dma_semaphore, #tpu.memory_space<semaphore_mem>> -> memref<!tpu.dma_semaphore, #tpu.memory_space<semaphore_mem>>
        %dma_wait3A_205 = tpu.memref_slice %arg4[%mul3A_2] : memref<16777216xf32, #tpu.memory_space<hbm>> -> memref<16384xf32, #tpu.memory_space<hbm>>
        %dma_wait3A_206 = arith.constant 0 : i32
        %dma_wait3A_207 = tpu.memref_slice %arg7[%dma_wait3A_197, %dma_wait3A_206] : memref<2x16384xf32, #tpu.memory_space<vmem>> -> memref<1x16384xf32, #tpu.memory_space<vmem>>
        %dma_wait3A_208 = tpu.memref_squeeze %dma_wait3A_207 : memref<1x16384xf32, #tpu.memory_space<vmem>> -> memref<16384xf32, #tpu.memory_space<vmem>>
        tpu.wait_dma2 semaphore(%dma_wait3A_204 : memref<!tpu.dma_semaphore, #tpu.memory_space<semaphore_mem>>) src(%dma_wait3A_208 : memref<16384xf32, #tpu.memory_space<vmem>>) dst(%dma_wait3A_205 : memref<16384xf32, #tpu.memory_space<hbm>>)
      } else {
      }
      %parallel_loop3A_172 = arith.constant 0 : i32
      %parallel_loop3A_173 = arith.constant 16384 : i32
      %parallel_loop3A_174 = arith.constant 16 : i32
      scf.for %parallel_loop3A_197 = %parallel_loop3A_172 to %parallel_loop3A_173 step %parallel_loop3A_174  : i32 {
        %parallel_loop3A_198 = arith.constant 16384 : i32
        %parallel_loop3A_199 = arith.addi %parallel_loop3A_198, %parallel_loop3A_197 : i32
        %parallel_loop3A_200 = arith.constant 1 : i32
        %parallel_loop3A_201 = arith.index_cast %parallel_loop3A_200 : i32 to index
        %parallel_loop3A_202 = arith.index_cast %parallel_loop3A_199 : i32 to index
        %parallel_loop3A_203 = tpu.vector_load %arg6[%parallel_loop3A_201, %parallel_loop3A_202] {strides = array<i32>} : memref<2x32768xf32, #tpu.memory_space<vmem>>, vector<16xf32>,
        %parallel_loop3A_204 = arith.constant 8.192000e+03 : f32
        %parallel_loop3A_205 = vector.broadcast %parallel_loop3A_204 : f32 to vector<16xf32>
        %parallel_loop3A_206 = arith.mulf %parallel_loop3A_203, %parallel_loop3A_205 : vector<16xf32>
        %parallel_loop3A_207 = arith.fptosi %parallel_loop3A_206 : vector<16xf32> to vector<16xi32>
        %parallel_loop3A_208 = arith.constant 0 : i32
        %parallel_loop3A_209 = vector.broadcast %parallel_loop3A_208 : i32 to vector<16xi32>
        %parallel_loop3A_210 = arith.maxsi %parallel_loop3A_207, %parallel_loop3A_209 : vector<16xi32>
        %parallel_loop3A_211 = arith.constant 8191 : i32
        %parallel_loop3A_212 = vector.broadcast %parallel_loop3A_211 : i32 to vector<16xi32>
        %parallel_loop3A_213 = arith.minsi %parallel_loop3A_210, %parallel_loop3A_212 : vector<16xi32>
        %parallel_loop3A_214 = tpu.vector_load_idx %arg5[%parallel_loop3A_213] : memref<8192xf32, #tpu.memory_space<vmem>>[vector<16xi32>], vector<16xf32>,
        %parallel_loop3A_215 = arith.constant 1 : i32
        %parallel_loop3A_216 = arith.index_cast %parallel_loop3A_215 : i32 to index
        %parallel_loop3A_217 = arith.index_cast %parallel_loop3A_197 : i32 to index
        %parallel_loop3A_218 = tpu.vector_load %arg7[%parallel_loop3A_216, %parallel_loop3A_217] {strides = array<i32>} : memref<2x16384xf32, #tpu.memory_space<vmem>>, vector<16xf32>,
        tpu.vector_store %arg7[%parallel_loop3A_216, %parallel_loop3A_217], %parallel_loop3A_214 {strides = array<i32>} : memref<2x16384xf32, #tpu.memory_space<vmem>>, vector<16xf32>,
      } {sc.loop_unroll_factor = 16 : i64, sc.parallel_access}
      %add3A_175 = arith.constant 16384 : i32
      %add3A_176 = arith.addi %add3A_132, %add3A_175 : i32
      %dma_start3A_177 = arith.constant 1 : i32
      %dma_start3A_178 = arith.constant 1 : i32
      %dma_start3A_179 = arith.constant 0 : i32
      %dma_start3A_180 = tpu.memref_slice %arg7[%dma_start3A_177, %dma_start3A_179] : memref<2x16384xf32, #tpu.memory_space<vmem>> -> memref<1x16384xf32, #tpu.memory_space<vmem>>
      %dma_start3A_181 = tpu.memref_squeeze %dma_start3A_180 : memref<1x16384xf32, #tpu.memory_space<vmem>> -> memref<16384xf32, #tpu.memory_space<vmem>>
      %dma_start3A_182 = tpu.memref_slice %arg4[%add3A_176] : memref<16777216xf32, #tpu.memory_space<hbm>> -> memref<16384xf32, #tpu.memory_space<hbm>>
      %dma_start3A_183 = tpu.memref_slice %arg9[%dma_start3A_178] : memref<2x!tpu.dma_semaphore, #tpu.memory_space<semaphore_mem>> -> memref<1x!tpu.dma_semaphore, #tpu.memory_space<semaphore_mem>>
      %dma_start3A_184 = tpu.memref_squeeze %dma_start3A_183 : memref<1x!tpu.dma_semaphore, #tpu.memory_space<semaphore_mem>> -> memref<!tpu.dma_semaphore, #tpu.memory_space<semaphore_mem>>
      %dma_start3A_185 = tpu.memref_slice %arg4[%add3A_176] : memref<16777216xf32, #tpu.memory_space<hbm>> -> memref<16384xf32, #tpu.memory_space<hbm>>
      %dma_start3A_186 = arith.constant 0 : i32
      %dma_start3A_187 = tpu.memref_slice %arg7[%dma_start3A_177, %dma_start3A_186] : memref<2x16384xf32, #tpu.memory_space<vmem>> -> memref<1x16384xf32, #tpu.memory_space<vmem>>
      %dma_start3A_188 = tpu.memref_squeeze %dma_start3A_187 : memref<1x16384xf32, #tpu.memory_space<vmem>> -> memref<16384xf32, #tpu.memory_space<vmem>>
      tpu.enqueue_dma source(%dma_start3A_188 : memref<16384xf32, #tpu.memory_space<vmem>>) target(%dma_start3A_185 : memref<16384xf32, #tpu.memory_space<hbm>>) target_semaphore(%dma_start3A_184 : memref<!tpu.dma_semaphore, #tpu.memory_space<semaphore_mem>>)
      %add3A_189 = arith.constant 2 : i32
      %add3A_190 = arith.addi %add3A_129, %add3A_189 : i32
      %lt3A_191 = arith.constant 16 : i32
      %lt3A_192 = arith.cmpi slt, %add3A_190, %lt3A_191 : i32
      %convert_element_type3A_193 = arith.extui %lt3A_192 : i1 to i32
      %cond3A_194 = arith.constant 0 : i32
      %cond3A_195 = arith.cmpi ne, %convert_element_type3A_193, %cond3A_194 : i32
      scf.if %cond3A_195 {
        %add3A_197 = arith.constant 65536 : i32
        %add3A_198 = arith.addi %add3A_132, %add3A_197 : i32
        %dma_start3A_199 = arith.constant 1 : i32
        %dma_start3A_200 = arith.constant 1 : i32
        %dma_start3A_201 = arith.constant 0 : i32
        %dma_start3A_202 = tpu.memref_slice %arg6[%dma_start3A_199, %dma_start3A_201] : memref<2x32768xf32, #tpu.memory_space<vmem>> -> memref<1x32768xf32, #tpu.memory_space<vmem>>
        %dma_start3A_203 = tpu.memref_squeeze %dma_start3A_202 : memref<1x32768xf32, #tpu.memory_space<vmem>> -> memref<32768xf32, #tpu.memory_space<vmem>>
        %dma_start3A_204 = tpu.memref_slice %arg2[%add3A_198] : memref<16777216xf32, #tpu.memory_space<hbm>> -> memref<32768xf32, #tpu.memory_space<hbm>>
        %dma_start3A_205 = tpu.memref_slice %arg8[%dma_start3A_200] : memref<2x!tpu.dma_semaphore, #tpu.memory_space<semaphore_mem>> -> memref<1x!tpu.dma_semaphore, #tpu.memory_space<semaphore_mem>>
        %dma_start3A_206 = tpu.memref_squeeze %dma_start3A_205 : memref<1x!tpu.dma_semaphore, #tpu.memory_space<semaphore_mem>> -> memref<!tpu.dma_semaphore, #tpu.memory_space<semaphore_mem>>
        %dma_start3A_207 = arith.constant 0 : i32
        %dma_start3A_208 = tpu.memref_slice %arg6[%dma_start3A_199, %dma_start3A_207] : memref<2x32768xf32, #tpu.memory_space<vmem>> -> memref<1x32768xf32, #tpu.memory_space<vmem>>
        %dma_start3A_209 = tpu.memref_squeeze %dma_start3A_208 : memref<1x32768xf32, #tpu.memory_space<vmem>> -> memref<32768xf32, #tpu.memory_space<vmem>>
        %dma_start3A_210 = tpu.memref_slice %arg2[%add3A_198] : memref<16777216xf32, #tpu.memory_space<hbm>> -> memref<32768xf32, #tpu.memory_space<hbm>>
        tpu.enqueue_dma source(%dma_start3A_210 : memref<32768xf32, #tpu.memory_space<hbm>>) target(%dma_start3A_209 : memref<32768xf32, #tpu.memory_space<vmem>>) target_semaphore(%dma_start3A_206 : memref<!tpu.dma_semaphore, #tpu.memory_space<semaphore_mem>>)
      } else {
      }
      %scan3A_196 = arith.constant 0 : i32
      scf.yield %scan3A_196 : i32
    }
    %scan3A_35 = arith.constant 8 : i32
    %dma_wait3A = arith.constant 0 : i32
    %dma_wait3A_36 = arith.constant 0 : i32
    %dma_wait3A_37 = arith.constant 0 : i32
    %dma_wait3A_38 = tpu.memref_slice %arg7[%dma_wait3A, %dma_wait3A_37] : memref<2x16384xf32, #tpu.memory_space<vmem>> -> memref<1x16384xf32, #tpu.memory_space<vmem>>
    %dma_wait3A_39 = tpu.memref_squeeze %dma_wait3A_38 : memref<1x16384xf32, #tpu.memory_space<vmem>> -> memref<16384xf32, #tpu.memory_space<vmem>>
    %dma_wait3A_40 = tpu.memref_slice %arg4[%mul3A_2] : memref<16777216xf32, #tpu.memory_space<hbm>> -> memref<16384xf32, #tpu.memory_space<hbm>>
    %dma_wait3A_41 = tpu.memref_slice %arg9[%dma_wait3A_36] : memref<2x!tpu.dma_semaphore, #tpu.memory_space<semaphore_mem>> -> memref<1x!tpu.dma_semaphore, #tpu.memory_space<semaphore_mem>>
    %dma_wait3A_42 = tpu.memref_squeeze %dma_wait3A_41 : memref<1x!tpu.dma_semaphore, #tpu.memory_space<semaphore_mem>> -> memref<!tpu.dma_semaphore, #tpu.memory_space<semaphore_mem>>
    %dma_wait3A_43 = tpu.memref_slice %arg4[%mul3A_2] : memref<16777216xf32, #tpu.memory_space<hbm>> -> memref<16384xf32, #tpu.memory_space<hbm>>
    %dma_wait3A_44 = arith.constant 0 : i32
    %dma_wait3A_45 = tpu.memref_slice %arg7[%dma_wait3A, %dma_wait3A_44] : memref<2x16384xf32, #tpu.memory_space<vmem>> -> memref<1x16384xf32, #tpu.memory_space<vmem>>
    %dma_wait3A_46 = tpu.memref_squeeze %dma_wait3A_45 : memref<1x16384xf32, #tpu.memory_space<vmem>> -> memref<16384xf32, #tpu.memory_space<vmem>>
    tpu.wait_dma2 semaphore(%dma_wait3A_42 : memref<!tpu.dma_semaphore, #tpu.memory_space<semaphore_mem>>) src(%dma_wait3A_46 : memref<16384xf32, #tpu.memory_space<vmem>>) dst(%dma_wait3A_43 : memref<16384xf32, #tpu.memory_space<hbm>>)
    %dma_wait3A_47 = arith.constant 1 : i32
    %dma_wait3A_48 = arith.constant 1 : i32
    %dma_wait3A_49 = arith.constant 0 : i32
    %dma_wait3A_50 = tpu.memref_slice %arg7[%dma_wait3A_47, %dma_wait3A_49] : memref<2x16384xf32, #tpu.memory_space<vmem>> -> memref<1x16384xf32, #tpu.memory_space<vmem>>
    %dma_wait3A_51 = tpu.memref_squeeze %dma_wait3A_50 : memref<1x16384xf32, #tpu.memory_space<vmem>> -> memref<16384xf32, #tpu.memory_space<vmem>>
    %dma_wait3A_52 = tpu.memref_slice %arg4[%mul3A_2] : memref<16777216xf32, #tpu.memory_space<hbm>> -> memref<16384xf32, #tpu.memory_space<hbm>>
    %dma_wait3A_53 = tpu.memref_slice %arg9[%dma_wait3A_48] : memref<2x!tpu.dma_semaphore, #tpu.memory_space<semaphore_mem>> -> memref<1x!tpu.dma_semaphore, #tpu.memory_space<semaphore_mem>>
    %dma_wait3A_54 = tpu.memref_squeeze %dma_wait3A_53 : memref<1x!tpu.dma_semaphore, #tpu.memory_space<semaphore_mem>> -> memref<!tpu.dma_semaphore, #tpu.memory_space<semaphore_mem>>
    %dma_wait3A_55 = tpu.memref_slice %arg4[%mul3A_2] : memref<16777216xf32, #tpu.memory_space<hbm>> -> memref<16384xf32, #tpu.memory_space<hbm>>
    %dma_wait3A_56 = arith.constant 0 : i32
    %dma_wait3A_57 = tpu.memref_slice %arg7[%dma_wait3A_47, %dma_wait3A_56] : memref<2x16384xf32, #tpu.memory_space<vmem>> -> memref<1x16384xf32, #tpu.memory_space<vmem>>
    %dma_wait3A_58 = tpu.memref_squeeze %dma_wait3A_57 : memref<1x16384xf32, #tpu.memory_space<vmem>> -> memref<16384xf32, #tpu.memory_space<vmem>>
    tpu.wait_dma2 semaphore(%dma_wait3A_54 : memref<!tpu.dma_semaphore, #tpu.memory_space<semaphore_mem>>) src(%dma_wait3A_58 : memref<16384xf32, #tpu.memory_space<vmem>>) dst(%dma_wait3A_55 : memref<16384xf32, #tpu.memory_space<hbm>>)
    return
  }
}

module attributes {stable_mosaic.version = 14 : i64} {
  func.func @_table_body(%arg0: memref<64x128xf32, #tpu.memory_space<vmem>>, %arg1: memref<64x128xf32, #tpu.memory_space<vmem>>) attributes {dimension_semantics = [], scalar_prefetch = 0 : i64, scratch_operands = 0 : i64, tpu.core_type = #tpu.core_type<tc>} {
    %get3A = arith.constant 0 : index
    %get3A_0 = arith.constant 0 : index
    %get3A_1 = vector.load %arg0[%get3A, %get3A_0] : memref<64x128xf32, #tpu.memory_space<vmem>>, vector<64x128xf32>
    %reduce_max3A = vector.shape_cast %get3A_1 : vector<64x128xf32> to vector<1x64x128xf32>
    %reduce_max3A_2 = arith.constant dense<0xFF800000> : vector<1xf32>
    %reduce_max3A_3 = vector.multi_reduction <maximumf>, %reduce_max3A, %reduce_max3A_2 [1, 2] : vector<1x64x128xf32> to vector<1xf32>
    %reduce_max3A_4 = vector.shape_cast %reduce_max3A_3 : vector<1xf32> to vector<1x1x1xf32>
    %reduce_max3A_5 = vector.extract %reduce_max3A_4[0, 0, 0] : f32 from vector<1x1x1xf32>
    %sub3A = vector.broadcast %reduce_max3A_5 : f32 to vector<64x128xf32>
    %sub3A_6 = arith.subf %get3A_1, %sub3A : vector<64x128xf32>
    %exp3A = math.exp %sub3A_6 : vector<64x128xf32>
    %reduce_sum3A = vector.shape_cast %exp3A : vector<64x128xf32> to vector<1x64x128xf32>
    %reduce_sum3A_7 = arith.constant dense<0.000000e+00> : vector<1xf32>
    %reduce_sum3A_8 = vector.multi_reduction <add>, %reduce_sum3A, %reduce_sum3A_7 [1, 2] : vector<1x64x128xf32> to vector<1xf32>
    %reduce_sum3A_9 = vector.shape_cast %reduce_sum3A_8 : vector<1xf32> to vector<1x1x1xf32>
    %reduce_sum3A_10 = vector.extract %reduce_sum3A_9[0, 0, 0] : f32 from vector<1x1x1xf32>
    %log3A = math.log %reduce_sum3A_10 : f32
    %add3A = arith.addf %log3A, %reduce_max3A_5 : f32
    %sub3A_11 = vector.broadcast %add3A : f32 to vector<64x128xf32>
    %sub3A_12 = arith.subf %get3A_1, %sub3A_11 : vector<64x128xf32>
    %add3A_13 = arith.constant 9.01091289 : f32
    %add3A_14 = vector.broadcast %add3A_13 : f32 to vector<64x128xf32>
    %add3A_15 = arith.addf %sub3A_12, %add3A_14 : vector<64x128xf32>
    %swap3A = arith.constant 0 : index
    %swap3A_16 = arith.constant 0 : index
    %swap3A_17 = vector.load %arg1[%swap3A, %swap3A_16] : memref<64x128xf32, #tpu.memory_space<vmem>>, vector<64x128xf32>
    tpu.vector_store %arg1[%swap3A, %swap3A_16], %add3A_15 {strides = array<i32>} : memref<64x128xf32, #tpu.memory_space<vmem>>, vector<64x128xf32>,
    return
  }
}

</mosaic_0001>

<sc_bundles>
// kernel: kernel.4.cloned.1.call-start
scs
__scs_entry_jumppad:
0x0: {  	(pc) =	sbr.rel $0x88, $3  }
0x1: {  	(tag) =	ssettag $0x0;
	lr =	simm.s32 $0x1  }
0x2: {  	[smem:$0x3F9F] =	sst lr;
	_ =	strace $0xD0000000  }
0x3: {  	_ = 	snop  }
0x4: {  	_ = 	snop  }
0x5: {  	_ = 	snop  }
0x6: {  	_ = 	snop  }
0x7: {  	_ = 	snop  }
__scs_overlays_trampoline_lowered:
0x8: {  	[smem:$0x3FAE] =	sst s0  }
0x9: {  	[smem:$0x3FAF] =	sst s1  }
0xa: {  	[smem:$0x3FB0] =	sst s2  }
0xb: {  	[smem:$0x3FB1] =	sst s3  }
0xc: {  	[smem:$0x3FB2] =	sst s4  }
0xd: {  	[smem:$0x3FB3] =	sst s5  }
0xe: {  	[smem:$0x3FB4] =	sst s6  }
0xf: {  	[smem:$0x3FB5] =	sst s7  }
0x10: {  	[smem:$0x3FB6] =	sst s8  }
0x11: {  	[smem:$0x3FB7] =	sst s9;
	s0 =	simm.s32 @!p0 $0x0  }
0x12: {  	s1 =	sld [smem:$0x3F9D];
	s0 =	simm.s32 @p0 $0x1  }
0x13: {  	[smem:$0x3FB8] =	sst s0;
	s0 =	simm.s32 @!p1 $0x0  }
0x14: {  	s2 =	sld [smem:$0x3F9C];
	s0 =	simm.s32 @p1 $0x1  }
0x15: {  	[smem:$0x3FB9] =	sst s0;
	s0 =	simm.s32 @!p2 $0x0  }
0x16: {  	s3 =	sld [smem:$0x3FDB];
	s0 =	simm.s32 @p2 $0x1  }
0x17: {  	s4 =	simm.s32 $0x1BF5;
	[smem:$0x3FBB] =	sst s0  }
0x18: {  	s0 =	sld [smem:$0x3F9E];
	_ =	swait.ge [sflag:s4], $0x0  }
0x19: {  	s7 =	sld [smem:$0x3F9F]  }
0x1a: {  	s8 =	sadd.s32 $0xFFFFE003, lr  }
0x1b: {  	s9 =	sadd.s32 $0xFFFFFEF7, lr;
	s5 =	simm.s32 $0xFFFFFFFF;
	p2 =	slt.u32 s8, $0xFFFFF086  }
0x1c: {  	p1 =	slt.u32 s9, $0xF7A;
	s5 =	simm.s32 @!p2 $0x0  }
0x1d: {  	s5 =	simm.s32 @p1 $0x1;
	p0 =	seq.s32 s7, s2  }
0x1e: {  	s7 =	smul.u32 @!p0 $0xF7A, s2;
	p2 =	seq.s32 @!p0 s5, $0x0  }
0x1f: {  	s9 =	smul.u32 $0xF7A, s1;
	s8 =	simm.s32 @!p0 $0x1BF5;
	p2 =	por !p2, p0  }
0x20: {  	[sflag:s8] =	ssyncset.s32 @!p0 $0xFFFFF086;
	s6 =	sadd.s32 @!p0 s3, s7;
	s7 =	simm.s32 @!p0 $0x108  }
0x21: {  	s3 =	sadd.s32 s3, s9;
	s6 =	sadd.s32 @!p0 $0x88, s6;
	s7 =	simm.s32 @p2 $0x1082  }
0x22: {  	[simem:s7], [sflag:s8] =	dma.local @!p0 [hbm:s6], $0xF7A  }
0x23: {  	s9 =	sor.u32 $0xD0000000, s2;
	s6 =	simm.s32 $0x108;
	_ =	swait.ge @!p0 [sflag:s8], $0x0  }
0x24: {  	s3 =	sadd.s32 $0x88, s3;
	s6 =	simm.s32 @!p1 $0x1082;
	[sflag:s4] =	ssyncset.s32 $0xFFFFF086  }
0x25: {  	[simem:s6], [sflag:s4] =	dma.local [hbm:s3], $0xF7A  }
0x26: {  	[smem:$0x3F9F] =	sst s1;
	(tag) =	ssettag s2;
	_ =	strace s9  }
0x27: {  	s1 =	sld [smem:$0x3FAF]  }
0x28: {  	s2 =	sld [smem:$0x3FB0]  }
0x29: {  	s4 =	sld [smem:$0x3FB2]  }
0x2a: {  	p0 =	seq.s32 s5, $0x0;
	s5 =	sld [smem:$0x3FB3]  }
0x2b: {  	s6 =	sld [smem:$0x3FB4]  }
0x2c: {  	s7 =	sld [smem:$0x3FB5]  }
0x2d: {  	s3 =	simm.s32 $0x108;
	s8 =	sld [smem:$0x3FB6]  }
0x2e: {  	s3 =	simm.s32 @!p0 $0x1082;
	s9 =	sld [smem:$0x3FB7]  }
0x2f: {  	lr =	sadd.s32 s0, s3;
	s0 =	sld [smem:$0x3FAE]  }
0x30: {  	s3 =	sld [smem:$0x3FB1]  }
0x31: {  	[smem:$0x3FBA] =	sst s10  }
0x32: {  	s10 =	sld [smem:$0x3FB8];
	_ =	sdelay $0x3  }
0x33: {  	p0 =	seq.s32 s10, $0x1;
	s10 =	sld [smem:$0x3FBA];
	_ =	sdelay $0x3  }
0x34: {  	[smem:$0x3FBA] =	sst s10  }
0x35: {  	s10 =	sld [smem:$0x3FB9];
	_ =	sdelay $0x3  }
0x36: {  	p1 =	seq.s32 s10, $0x1;
	s10 =	sld [smem:$0x3FBA];
	_ =	sdelay $0x3  }
0x37: {  	[smem:$0x3FBA] =	sst s10  }
0x38: {  	s10 =	sld [smem:$0x3FBB]  }
0x39: {  	_ = 	snop;
	(pc) =	sbr.ind lr, $3  }
0x3a: {  	_ = 	snop  }
0x3b: {  	_ = 	snop  }
0x3c: {  	p2 =	seq.s32 s10, $0x1;
	s10 =	sld [smem:$0x3FBA]  }
0x3d: {  	_ =	shalt  }
0x3e: {  	_ =	shalt  }
0x3f: {  	_ =	shalt  }
0x40: {  	_ =	shalt  }
0x41: {  	_ =	shalt  }
0x42: {  	_ =	shalt  }
0x43: {  	_ =	shalt  }
0x44: {  	_ =	shalt  }
0x45: {  	_ =	shalt  }
0x46: {  	_ =	shalt  }
0x47: {  	_ =	shalt  }
0x48: {  	_ =	shalt  }
0x49: {  	_ =	shalt  }
0x4a: {  	_ =	shalt  }
0x4b: {  	_ =	shalt  }
0x4c: {  	_ =	shalt  }
0x4d: {  	_ =	shalt  }
0x4e: {  	_ =	shalt  }
0x4f: {  	_ =	shalt  }
0x50: {  	_ =	shalt  }
0x51: {  	_ =	shalt  }
0x52: {  	_ =	shalt  }
0x53: {  	_ =	shalt  }
0x54: {  	_ =	shalt  }
0x55: {  	_ =	shalt  }
0x56: {  	_ =	shalt  }
0x57: {  	_ =	shalt  }
0x58: {  	_ =	shalt  }
0x59: {  	_ =	shalt  }
0x5a: {  	_ =	shalt  }
0x5b: {  	_ =	shalt  }
0x5c: {  	_ =	shalt  }
0x5d: {  	_ =	shalt  }
0x5e: {  	_ =	shalt  }
0x5f: {  	_ =	shalt  }
0x60: {  	_ =	shalt  }
0x61: {  	_ =	shalt  }
0x62: {  	_ =	shalt  }
0x63: {  	_ =	shalt  }
0x64: {  	_ =	shalt  }
0x65: {  	_ =	shalt  }
0x66: {  	_ =	shalt  }
0x67: {  	_ =	shalt  }
0x68: {  	_ =	shalt  }
0x69: {  	_ =	shalt  }
0x6a: {  	_ =	shalt  }
0x6b: {  	_ =	shalt  }
0x6c: {  	_ =	shalt  }
0x6d: {  	_ =	shalt  }
0x6e: {  	_ =	shalt  }
0x6f: {  	_ =	shalt  }
0x70: {  	_ =	shalt  }
0x71: {  	_ =	shalt  }
0x72: {  	_ =	shalt  }
0x73: {  	_ =	shalt  }
0x74: {  	_ =	shalt  }
0x75: {  	_ =	shalt  }
0x76: {  	_ =	shalt  }
0x77: {  	_ =	shalt  }
0x78: {  	_ =	shalt  }
0x79: {  	_ =	shalt  }
0x7a: {  	_ =	shalt  }
0x7b: {  	_ =	shalt  }
0x7c: {  	_ =	shalt  }
0x7d: {  	_ =	shalt  }
0x7e: {  	_ =	shalt  }
0x7f: {  	_ =	shalt  }
0x80: {  	_ =	shalt  }
0x81: {  	_ =	shalt  }
0x82: {  	_ =	shalt  }
0x83: {  	_ =	shalt  }
0x84: {  	_ =	shalt  }
0x85: {  	_ =	shalt  }
0x86: {  	_ =	shalt  }
0x87: {  	_ =	shalt  }
.Lfunc_end0:
.L_simem_size_0:
called_computation_lowered:
.L_overlay_start_0:
0x88: {  	s2 =	sld [smem:$0x3FD9]  }
0x89: {  	s3 =	sld [smem:$0x3FFE];
	_ =	sdelay $0x1  }
0x8a: {  	s1 =	srdreg.scid  }
0x8b: {  	s0 =	sand.u32 $0x1, s1  }
0x8c: {  	s17 =	sshll.u32 s0, $0xA;
	s2 =	sadd.s32 s3, s2  }
0x8d: {  	s2 =	sadd.s32 s2, s17  }
0x8e: {  	[smem:$0x3FC6] =	sst s2  }
0x8f: {  	_ = 	snop  }
0x90: {  	s2 =	sld [smem:$0x3FC9]  }
0x91: {  	s18 =	sld [smem:$0x3FD0];
	(tm) =	ssettm $0x1  }
0x92: {  	s4 =	sld [smem:$0x3FFB];
	_ =	sdelay $0x3  }
0x93: {  	_ =	strace s4  }
0x94: {  	s4 =	sld [smem:$0x3FFC];
	_ =	sdelay $0x3  }
0x95: {  	_ =	strace s4  }
0x96: {  	s4 =	sld [smem:$0x3FFD];
	_ =	sdelay $0x3  }
0x97: {  	_ =	strace s4  }
0x98: {  	_ =	strace $0x8FFFFFFF  }
0x99: {  	s19 =	sld [smem:$0x3FDB];
	_ =	sdelay $0x1  }
0x9a: {  	s5 =	simm.s32 $_scs_section_size  }
0x9b: {  	s6 =	simm.s32 $_size__tile_overlayer_lowered;
	s7 =	simm.s32 $_tile_overlayer_lowered  }
0x9c: {  	s22 =	simm.s32 $0x1BFF;
	s21 =	sshll.u32 s7, $0x1;
	s4 =	sadd.s32 s5, s19  }
0x9d: {  	s8 =	simm.s32 $0x0;
	s20 =	sshll.u32 s6, $0x1;
	s6 =	sadd.s32 s21, s4  }
0x9e: {  	[timem:s8], [sflag:s22] =	dma.local [hbm:s6], s20  }
0x9f: {  	_ =	swait.ge [sflag:s22], s20  }
0xa0: {  	s5 =	ssub.s32 $0x0, s20;
	[sflag:s22] =	ssyncset.done $0x0  }
0xa1: {  	[sflag:s22] =	ssyncadd.s32 s5;
	_ =	sdelay $0x1  }
0xa2: {  	s23 =	simm.s32 $0x1B8B  }
0xa3: {  	_ =	swait.ge [sflag:s23], $0x1  }
0xa4: {  	[sflag:s23] =	ssyncset.done $0x0  }
0xa5: {  	s25 =	simm.s32 $0x1B8E;
	s24 =	sld [smem:$0x3FFE];
	[sflag:s23] =	ssyncadd.s32 $0xFFFFFFFF  }
0xa6: {  	s26 =	simm.s32 $execute0_lowered;
	[smem:$0x3FD2] =	sst s25  }
0xa7: {  	s6 =	sshll.u32 s26, $0x1;
	_ =	strace $0x80000046;
	[dreg:$0x1] =	wrdreg $0xFFFFFFFF  }
0xa8: {  	s28 =	simm.s32 $_size_execute0_lowered;
	s4 =	sadd.s32 s4, s6;
	[dreg:$0x0] =	wrdreg $0x0  }
0xa9: {  	s6 =	sshll.u32 s28, $0x1;
	[dreg:$0x2] =	wrdreg s4  }
0xaa: {  	[dreg:$0x3] =	wrdreg s6  }
0xab: {  	[dreg:$0x4] =	wrdreg $0xC0  }
0xac: {  	_ =	task [dreg:s8], $0x5FFFF  }
0xad: {  	[dreg:$0x1] =	wrdreg $0xFFFFFFFF  }
0xae: {  	[dreg:$0x0] =	wrdreg $0x60  }
0xaf: {  	[dreg:$0x2] =	wrdreg s2  }
0xb0: {  	[dreg:$0x3] =	wrdreg s24  }
0xb1: {  	[dreg:$0x4] =	wrdreg s18  }
0xb2: {  	[dreg:$0x5] =	wrdreg $0x9  }
0xb3: {  	_ =	task.clear_ibuf [dreg:s8], $0x6FFFF;
	_ =	strace $0x90000046  }
0xb4: {  	s29 =	simm.s32 $0x9;
	_ =	strace $0x80000048  }
0xb5: {  	_ =	swait.ge [sflag:s29], $0x1  }
0xb6: {  	[sflag:s29] =	ssyncadd.s32 $0xFFFFFFFF  }
0xb7: {  	_ =	strace $0x90000048  }
0xb8: {  	_ =	sfence  }
0xb9: {  	s30 =	sld [smem:$0x0];
	_ =	sdelay $0x2  }
0xba: {  	s31 =	sshll.u32 s1, $0xD;
	s1 =	sshrl.u32 s1, $0x2  }
0xbb: {  	s3 =	sand.u32 $0x4000, s31;
	s1 =	sadd.s32 s1, s30  }
0xbc: {  	s0 =	sor.u32 s3, s0;
	s1 =	sshll.u32 s1, $0x11  }
0xbd: {  	s0 =	sor.u32 s1, s0  }
0xbe: {  	s0 =	sadd.s32 $0x8F2B, s0  }
0xbf: {  	[sflag:s0] =	ssyncadd.remote.s32 $0x1  }
0xc0: {  	_ =	sfence.sel $0xFFFF  }
0xc1: {  	[dreg:$0x0] =	wrdreg $0xFFFFFFFF;
	(pc) =	sbr.abs _section_cstart, $3  }
0xc2: {  	[dreg:$0x1] =	wrdreg $0xFFFFFFFF  }
0xc3: {  	_ =	task.clear_ibuf [dreg:s8], $0x2FFFF;
	_ =	strace $0x9FFFFFFF  }
0xc4: {  	(tm) =	ssettm $0x7FFFFFFF  }
0xc5: {  	_ =	shalt  }
tec
execute0_lowered:
.L_overlay_start_1:
0x0: {  	(tag) =	ssettag $0x1  }
0x1: {  	s1 =	rddreg [dreg:$0x0]  }
0x2: {  	s6 =	rddreg [dreg:$0x1]  }
0x3: {  	s3 =	rddreg [dreg:$0x2]  }
0x4: {  	s4 =	srdreg.scid;
	s0 =	rddreg [dreg:$0x3]  }
0x5: {  	s2 =	stileid.u32;
	s11 =	simm.s32 $0x5;
	s12 =	simm.s32 $0x1  }
0x6: {  	s13 =	simm.s32 $0x2;
	s14 =	simm.s32 $0x3;
	s15 =	simm.s32 $0x4  }
0x7: {  	s16 =	simm.s32 $0x0;
	s5 =	sand.u32 $0x1, s4;
	s4 =	simm.s32 $0x0  }
.Ltmp0:
0x8: {  	s7 =	sshll.u32 s2, $0x14;
	s8 =	sshll.u32 s5, $0x13;
	(pc) =	sbr.rel .LBB2_1-.Ltmp0, $4  }
0x9: {  	s6 =	sadd.s32 $0x800, s6;
	s9 =	ssub.s32 $0x2, s5;
	s5 =	sor.u32 s8, s7  }
0xa: {  	[smem:$0x7FF] =	sst s4;
	s31 =	sshrl.u32 s9, $0x1;
	s8 =	sshrl.u32 s5, $0x3  }
0xb: {  	_ =	strace $0x80000047;
	s10 =	ssub.s32 s9, s31;
	s7 =	sadd.s32 s1, s8  }
0xc: {  	s9 =	sadd.s32 $0x800, s3;
	s10 =	smax.u32 s10, $0x1;
	s8 =	sadd.s32 $0x1000, s7  }
.LBB2_30:
0xd: {  	s16 =	sadd.s32 $0x1, s16  }
0xe: {  	_ =	swait.ge [sflag:s14], $0x4000;
	p0 =	sne.s32 s16, s10  }
.Ltmp1:
0xf: {  	[sflag:s14] =	ssyncset.done $0x0;
	(pc) =	sbr.rel @!p0 .LBB2_31-.Ltmp1, $4  }
0x10: {  	[sflag:s14] =	ssyncadd.s32 $0xFFFFC000  }
0x11: {  	_ =	swait.ge [sflag:s15], $0x4000  }
0x12: {  	[sflag:s15] =	ssyncset.done $0x0  }
0x13: {  	[sflag:s15] =	ssyncadd.s32 $0xFFFFC000  }
.LBB2_1:
0x14: {  	[tilespmem:s4], [sflag:$0x5] =	stream.linear.gather [hbm4b:s6+s4], $0x2000, $0x38;
	[tilespmem:$0x1A000] =	vst v63  }
0x15: {  	_ =	swait.ge [sflag:s11], $0x2000  }
0x16: {  	s17 =	simm.s32 $0x2000;
	s18 =	simm.s32 $0x10;
	[sflag:s11] =	ssyncset.done $0x0  }
0x17: {  	s20 =	sadd.s32 $0x0, s7;
	s19 =	simm.s32 $0x2100;
	[sflag:s11] =	ssyncadd.s32 $0xFFFFE000  }
.LBB2_2:
0x18: {  	[tilespmem:s17], [sflag:$0x1] =	stream.linear.gather [hbm4b:s20+s4], $0x80, $0x38;
	[tilespmem:$0x1A000] =	vst v63  }
0x19: {  	s20 =	smov.u32 s18;
	s17 =	smov.u32 s19;
	p0 =	sne.s32 s18, $0xFF0  }
.Ltmp2:
0x1a: {  	s18 =	sadd.s32 $0x10, s18;
	(pc) =	sbr.rel @p0 .LBB2_2-.Ltmp2, $2  }
0x1b: {  	_ =	sdelay $0x2  }
0x1c: {  	s19 =	sadd.s32 $0x100, s19;
	s20 =	sadd.s32 s20, s7  }
0x1d: {  	[tilespmem:s17], [sflag:$0x1] =	stream.linear.gather [hbm4b:s20+s4], $0x80, $0x38;
	[tilespmem:$0x1A000] =	vst v63  }
0x1e: {  	s17 =	simm.s32 $0x0;
	s18 =	simm.s32 $0x2080  }
0x1f: {  	s19 =	simm.s32 $0x10;
	s21 =	sadd.s32 $0x0, s8;
	s20 =	simm.s32 $0x2180  }
.LBB2_4:
0x20: {  	[tilespmem:s18], [sflag:$0x2] =	stream.linear.gather [hbm4b:s21+s17], $0x80, $0x38;
	[tilespmem:$0x1A000] =	vst v63  }
0x21: {  	s21 =	smov.u32 s19;
	s18 =	smov.u32 s20;
	p0 =	sne.s32 s19, $0xFF0  }
.Ltmp3:
0x22: {  	s19 =	sadd.s32 $0x10, s19;
	(pc) =	sbr.rel @p0 .LBB2_4-.Ltmp3, $2  }
0x23: {  	_ =	sdelay $0x2  }
0x24: {  	s20 =	sadd.s32 $0x100, s20;
	s21 =	sadd.s32 s21, s8  }
0x25: {  	[tilespmem:s18], [sflag:$0x2] =	stream.linear.gather [hbm4b:s21+s17], $0x80, $0x38;
	[tilespmem:$0x1A000] =	vst v63  }
.LBB2_6:
0x26: {  	_ =	swait.ge [sflag:s12], $0x8000  }
0x27: {  	p0 =	seq.s32 s17, $0x0;
	[sflag:s12] =	ssyncset.done $0x0  }
0x28: {  	s18 =	simm.s32 @!p0 $0x3;
	[sflag:s12] =	ssyncadd.s32 $0xFFFF8000  }
0x29: {  	_ =	swait.ge @!p0 [sflag:s18], $0x4000  }
0x2a: {  	[sflag:s18] =	ssyncset.done @!p0 $0x0  }
0x2b: {  	s30 =	simm.s32 $0x2100;
	[sflag:s18] =	ssyncadd.s32 @!p0 $0xFFFFC000  }
0x2c: {  	v0 =	vld [tilespmem:s30+$0x70]  }
0x2d: {  	v1 =	vld [tilespmem:s30+$0xFFFFFF10]  }
0x2e: {  	v2 =	vld [tilespmem:s30+$0xFFFFFF20]  }
0x2f: {  	v3 =	vld [tilespmem:s30+$0xFFFFFF30]  }
0x30: {  	v4 =	vld [tilespmem:s30+$0xFFFFFF40]  }
0x31: {  	v5 =	vld [tilespmem:s30+$0xFFFFFF50]  }
0x32: {  	v6 =	vld [tilespmem:s30+$0xFFFFFF60]  }
0x33: {  	v7 =	vld [tilespmem:s30+$0xFFFFFF70]  }
0x34: {  	v8 =	vld [tilespmem:s30+$0x0]  }
0x35: {  	v9 =	vld [tilespmem:s30+$0x10]  }
0x36: {  	v10 =	vld [tilespmem:s30+$0x20]  }
0x37: {  	v11 =	vld [tilespmem:s30+$0x30]  }
0x38: {  	v12 =	vld [tilespmem:s30+$0x40]  }
0x39: {  	v13 =	vld [tilespmem:s30+$0x50]  }
0x3a: {  	v14 =	vld [tilespmem:s30+$0x60]  }
0x3b: {  	s31 =	simm.s32 $0x2300;
	v15 =	vld [tilespmem:s30+$0xFFFFFF00]  }
0x3c: {  	v16 =	vld [tilespmem:s31+$0x70]  }
0x3d: {  	v17 =	vld [tilespmem:s31+$0xFFFFFF10]  }
0x3e: {  	v18 =	vld [tilespmem:s31+$0xFFFFFF20]  }
0x3f: {  	v19 =	vld [tilespmem:s31+$0xFFFFFF30];
	v0 =	vmul.f32 $8.192000000e+03, v0  }
0x40: {  	v20 =	vld [tilespmem:s31+$0xFFFFFF40];
	v1 =	vmul.f32 $8.192000000e+03, v1;
	v2 =	vmul.f32 $8.192000000e+03, v2  }
0x41: {  	v21 =	vld [tilespmem:s31+$0xFFFFFF50];
	v3 =	vmul.f32 $8.192000000e+03, v3;
	v4 =	vmul.f32 $8.192000000e+03, v4  }
0x42: {  	v22 =	vld [tilespmem:s31+$0xFFFFFF60];
	v5 =	vmul.f32 $8.192000000e+03, v5;
	v6 =	vmul.f32 $8.192000000e+03, v6  }
0x43: {  	v23 =	vld [tilespmem:s31+$0xFFFFFF70];
	v7 =	vmul.f32 $8.192000000e+03, v7;
	v8 =	vmul.f32 $8.192000000e+03, v8  }
0x44: {  	v24 =	vld [tilespmem:s31+$0x0];
	v9 =	vmul.f32 $8.192000000e+03, v9;
	v10 =	vmul.f32 $8.192000000e+03, v10  }
0x45: {  	v25 =	vld [tilespmem:s31+$0x10];
	v11 =	vmul.f32 $8.192000000e+03, v11;
	v12 =	vmul.f32 $8.192000000e+03, v12  }
0x46: {  	v26 =	vld [tilespmem:s31+$0x20];
	v13 =	vmul.f32 $8.192000000e+03, v13;
	v14 =	vmul.f32 $8.192000000e+03, v14  }
0x47: {  	v27 =	vld [tilespmem:s31+$0x30];
	v15 =	vmul.f32 $8.192000000e+03, v15;
	v16 =	vmul.f32 $8.192000000e+03, v16  }
0x48: {  	v28 =	vld [tilespmem:s31+$0x40];
	v17 =	vmul.f32 $8.192000000e+03, v17;
	v18 =	vmul.f32 $8.192000000e+03, v18  }
0x49: {  	v29 =	vld [tilespmem:s31+$0x50];
	v19 =	vmul.f32 $8.192000000e+03, v19;
	v20 =	vmul.f32 $8.192000000e+03, v20  }
0x4a: {  	v21 =	vmul.f32 $8.192000000e+03, v21;
	v22 =	vmul.f32 $8.192000000e+03, v22  }
0x4b: {  	v23 =	vmul.f32 $8.192000000e+03, v23;
	v24 =	vmul.f32 $8.192000000e+03, v24  }
0x4c: {  	v25 =	vmul.f32 $8.192000000e+03, v25;
	v26 =	vmul.f32 $8.192000000e+03, v26  }
0x4d: {  	v27 =	vmul.f32 $8.192000000e+03, v27;
	v28 =	vmul.f32 $8.192000000e+03, v28  }
0x4e: {  	v29 =	vmul.f32 $8.192000000e+03, v29;
	v0 =	vtrunc.f32 v0  }
0x4f: {  	v1 =	vtrunc.f32 v1;
	v2 =	vtrunc.f32 v2  }
0x50: {  	v3 =	vtrunc.f32 v3;
	v4 =	vtrunc.f32 v4  }
0x51: {  	v5 =	vtrunc.f32 v5;
	v6 =	vtrunc.f32 v6  }
0x52: {  	v7 =	vtrunc.f32 v7;
	v8 =	vtrunc.f32 v8  }
0x53: {  	v9 =	vtrunc.f32 v9;
	v10 =	vtrunc.f32 v10  }
0x54: {  	v11 =	vtrunc.f32 v11;
	v12 =	vtrunc.f32 v12  }
0x55: {  	v13 =	vtrunc.f32 v13;
	v14 =	vtrunc.f32 v14  }
0x56: {  	v15 =	vtrunc.f32 v15;
	v16 =	vtrunc.f32 v16  }
0x57: {  	v17 =	vtrunc.f32 v17;
	v18 =	vtrunc.f32 v18  }
0x58: {  	v19 =	vtrunc.f32 v19;
	v20 =	vtrunc.f32 v20  }
0x59: {  	v21 =	vtrunc.f32 v21;
	v22 =	vtrunc.f32 v22  }
0x5a: {  	v23 =	vtrunc.f32 v23;
	v24 =	vtrunc.f32 v24  }
0x5b: {  	v25 =	vtrunc.f32 v25;
	v26 =	vtrunc.f32 v26  }
0x5c: {  	v27 =	vtrunc.f32 v27;
	v28 =	vtrunc.f32 v28  }
0x5d: {  	v29 =	vtrunc.f32 v29;
	v0 =	vcvt.f32.s32 v0  }
0x5e: {  	v1 =	vcvt.f32.s32 v1;
	v15 =	vcvt.f32.s32 v15  }
0x5f: {  	v2 =	vcvt.f32.s32 v2;
	v3 =	vcvt.f32.s32 v3  }
0x60: {  	v4 =	vcvt.f32.s32 v4;
	v5 =	vcvt.f32.s32 v5  }
0x61: {  	v6 =	vcvt.f32.s32 v6;
	v7 =	vcvt.f32.s32 v7  }
0x62: {  	v8 =	vcvt.f32.s32 v8;
	v9 =	vcvt.f32.s32 v9  }
0x63: {  	v10 =	vcvt.f32.s32 v10;
	v11 =	vcvt.f32.s32 v11  }
0x64: {  	v12 =	vcvt.f32.s32 v12;
	v13 =	vcvt.f32.s32 v13  }
0x65: {  	v14 =	vcvt.f32.s32 v14;
	v16 =	vcvt.f32.s32 v16;
	vm0 =	vgt.s32 v0, $0x0  }
0x66: {  	vm1 =	vgt.s32 v15, $0x0;
	vm2 =	vgt.s32 v2, $0x0;
	vm3 =	vgt.s32 v3, $0x0  }
0x67: {  	vm4 =	vgt.s32 v4, $0x0;
	vm5 =	vgt.s32 v5, $0x0;
	vm6 =	vgt.s32 v6, $0x0  }
0x68: {  	vm7 =	vgt.s32 v7, $0x0;
	vm8 =	vgt.s32 v8, $0x0;
	vm9 =	vgt.s32 v9, $0x0  }
0x69: {  	vm10 =	vgt.s32 v10, $0x0;
	vm11 =	vgt.s32 v11, $0x0;
	vm13 =	vgt.s32 v13, $0x0  }
0x6a: {  	vm14 =	vgt.s32 v14, $0x0;
	v0 =	vnsel vm0, $0x0, v0;
	vm0 =	vgt.s32 v1, $0x0  }
0x6b: {  	v15 =	vnsel vm1, $0x0, v15;
	v2 =	vnsel vm2, $0x0, v2;
	v0 =	vmin.u32 v0, $0x1FFF  }
0x6c: {  	v3 =	vnsel vm3, $0x0, v3;
	v4 =	vnsel vm4, $0x0, v4;
	v15 =	vmin.u32 v15, $0x1FFF  }
0x6d: {  	v5 =	vnsel vm5, $0x0, v5;
	v6 =	vnsel vm6, $0x0, v6;
	v2 =	vmin.u32 v2, $0x1FFF  }
0x6e: {  	v30 =	vld [tilespmem:s31+$0x60];
	v7 =	vnsel vm7, $0x0, v7;
	v8 =	vnsel vm8, $0x0, v8;
	v3 =	vmin.u32 v3, $0x1FFF  }
0x6f: {  	v31 =	vld [tilespmem:s31+$0xFFFFFF00];
	v9 =	vnsel vm9, $0x0, v9;
	v10 =	vnsel vm10, $0x0, v10;
	v4 =	vmin.u32 v4, $0x1FFF  }
0x70: {  	v1 =	vnsel vm0, $0x0, v1;
	vm0 =	vgt.s32 v16, $0x0;
	v7 =	vmin.u32 v7, $0x1FFF;
	v0 =	vld.idx.msk [tilespmem:v0+s4+$0x0], $0xffff  }
0x71: {  	v11 =	vnsel vm11, $0x0, v11;
	v1 =	vmin.u32 v1, $0x1FFF;
	v16 =	vnsel vm0, $0x0, v16;
	v15 =	vld.idx.msk [tilespmem:v15+s4+$0x0], $0xffff  }
0x72: {  	v13 =	vnsel vm13, $0x0, v13;
	v14 =	vnsel vm14, $0x0, v14;
	v16 =	vmin.u32 v16, $0x1FFF;
	v2 =	vld.idx.msk [tilespmem:v2+s4+$0x0], $0xffff  }
0x73: {  	v5 =	vmin.u32 v5, $0x1FFF;
	v32 =	vmin.u32 v9, $0x1FFF;
	v9 =	vmul.f32 $8.192000000e+03, v30;
	v63 =	vld.idx.msk [tilespmem:v3+s4+$0x0], $0xffff  }
0x74: {  	v6 =	vmin.u32 v6, $0x1FFF;
	v62 =	vmin.u32 v10, $0x1FFF;
	v10 =	vmul.f32 $8.192000000e+03, v31;
	v4 =	vld.idx.msk [tilespmem:v4+s4+$0x0], $0xffff  }
0x75: {  	s18 =	simm.s32 $0x12100;
	v8 =	vmin.u32 v8, $0x1FFF;
	v34 =	vtrunc.f32 v9;
	v9 =	vcvt.f32.s32 v19;
	v19 =	vld.idx.msk [tilespmem:v7+s4+$0x0], $0xffff  }
0x76: {  	v33 =	vmin.u32 v11, $0x1FFF;
	v37 =	vmin.u32 v14, $0x1FFF;
	v14 =	vcvt.f32.s32 v21;
	v1 =	vld.idx.msk [tilespmem:v1+s4+$0x0], $0xffff;
	[tilespmem:s18+$0x70] =	vst v0  }
0x77: {  	v36 =	vmin.u32 v13, $0x1FFF;
	v13 =	vcvt.f32.s32 v23;
	v11 =	vcvt.f32.s32 v25;
	v16 =	vld.idx.msk [tilespmem:v16+s4+$0x0], $0xffff;
	[tilespmem:s18+$0xFFFFFF00] =	vst v15  }
0x78: {  	vm12 =	vgt.s32 v12, $0x0;
	v3 =	vtrunc.f32 v10;
	v0 =	vcvt.f32.s32 v17;
	v17 =	vld.idx.msk [tilespmem:v5+s4+$0x0], $0xffff;
	[tilespmem:s18+$0xFFFFFF20] =	vst v2  }
0x79: {  	v12 =	vnsel vm12, $0x0, v12;
	v5 =	vcvt.f32.s32 v3;
	v3 =	vcvt.f32.s32 v18;
	v18 =	vld.idx.msk [tilespmem:v6+s4+$0x0], $0xffff;
	[tilespmem:s18+$0xFFFFFF30] =	vst v63  }
0x7a: {  	v35 =	vmin.u32 v12, $0x1FFF;
	v12 =	vcvt.f32.s32 v27;
	v6 =	vcvt.f32.s32 v20;
	v20 =	vld.idx.msk [tilespmem:v8+s4+$0x0], $0xffff;
	[tilespmem:s18+$0xFFFFFF40] =	vst v4  }
0x7b: {  	vm7 =	vgt.s32 v14, $0x0;
	vm10 =	vgt.s32 v13, $0x0;
	v7 =	vcvt.f32.s32 v22;
	v15 =	vld.idx.msk [tilespmem:v32+s4+$0x0], $0xffff;
	[tilespmem:s18+$0xFFFFFF70] =	vst v19  }
0x7c: {  	s19 =	simm.s32 $0x12300;
	vm9 =	vgt.s32 v11, $0x0;
	vm5 =	vgt.s32 v12, $0x0;
	v10 =	vcvt.f32.s32 v24;
	v19 =	vld.idx.msk [tilespmem:v36+s4+$0x0], $0xffff;
	[tilespmem:s18+$0xFFFFFF10] =	vst v1  }
0x7d: {  	vm3 =	vgt.s32 v9, $0x0;
	vm11 =	vgt.s32 v7, $0x0;
	v8 =	vcvt.f32.s32 v26;
	[tilespmem:s19+$0x70] =	vst v16;
	v16 =	vld.idx.msk [tilespmem:v62+s4+$0x0], $0xffff  }
0x7e: {  	vm8 =	vgt.s32 v10, $0x0;
	v2 =	vcvt.f32.s32 v28;
	v4 =	vcvt.f32.s32 v29;
	[tilespmem:s18+$0xFFFFFF50] =	vst v17;
	v17 =	vld.idx.msk [tilespmem:v33+s4+$0x0], $0xffff  }
0x7f: {  	s20 =	sshll.u32 s17, $0x10;
	v1 =	vcvt.f32.s32 v34;
	vm0 =	vgt.s32 v0, $0x0;
	vm1 =	vgt.s32 v5, $0x0;
	[tilespmem:s18+$0xFFFFFF60] =	vst v18;
	v18 =	vld.idx.msk [tilespmem:v35+s4+$0x0], $0xffff  }
0x80: {  	s21 =	simm.s32 $0x100;
	s22 =	simm.s32 $0x2500;
	s20 =	sor.u32 s5, s20;
	vm2 =	vgt.s32 v3, $0x0;
	vm4 =	vgt.s32 v6, $0x0;
	vm6 =	vgt.s32 v8, $0x0;
	[tilespmem:s18+$0x0] =	vst v20;
	v20 =	vld.idx.msk [tilespmem:v37+s4+$0x0], $0xffff  }
.LBB2_7:
0x81: {  	v21 =	vld [tilespmem:s22+$0x70];
	s21 =	sadd.s32 $0x100, s21;
	vm13 =	vgt.s32 v2, $0x0;
	vm14 =	vgt.s32 v4, $0x0;
	vm12 =	vgt.s32 v1, $0x0;
	[tilespmem:s18+$0x10] =	vst v15  }
0x82: {  	v5 =	vnsel vm1, $0x0, v5;
	v0 =	vnsel vm0, $0x0, v0;
	v3 =	vnsel vm2, $0x0, v3;
	v15 =	vld [tilespmem:s22+$0xFFFFFF10];
	p1 =	slt.u32 s21, $0x3F00;
	[tilespmem:s18+$0x20] =	vst v16  }
0x83: {  	v9 =	vnsel vm3, $0x0, v9;
	v6 =	vnsel vm4, $0x0, v6;
	v14 =	vnsel vm7, $0x0, v14;
	v16 =	vld [tilespmem:s22+$0xFFFFFF20];
	[tilespmem:s18+$0x30] =	vst v17  }
0x84: {  	v7 =	vnsel vm11, $0x0, v7;
	v13 =	vnsel vm10, $0x0, v13;
	v10 =	vnsel vm8, $0x0, v10;
	v17 =	vld [tilespmem:s22+$0xFFFFFF30];
	[tilespmem:s18+$0x40] =	vst v18  }
0x85: {  	v11 =	vnsel vm9, $0x0, v11;
	v8 =	vnsel vm6, $0x0, v8;
	v12 =	vnsel vm5, $0x0, v12;
	v18 =	vld [tilespmem:s22+$0xFFFFFF40];
	[tilespmem:s18+$0x50] =	vst v19  }
0x86: {  	v2 =	vnsel vm13, $0x0, v2;
	v4 =	vnsel vm14, $0x0, v4;
	v19 =	vld [tilespmem:s22+$0xFFFFFF50];
	v21 =	vmul.f32 $8.192000000e+03, v21;
	[tilespmem:s18+$0x60] =	vst v20;
	s18 =	smov.u32 s19  }
0x87: {  	v5 =	vmin.u32 v5, $0x1FFF;
	v1 =	vnsel vm12, $0x0, v1;
	v15 =	vmul.f32 $8.192000000e+03, v15;
	v20 =	vld [tilespmem:s22+$0xFFFFFF60]  }
0x88: {  	v0 =	vmin.u32 v0, $0x1FFF;
	v16 =	vmul.f32 $8.192000000e+03, v16;
	v22 =	vld [tilespmem:s22+$0xFFFFFF70];
	v21 =	vtrunc.f32 v21  }
0x89: {  	v3 =	vmin.u32 v3, $0x1FFF;
	v17 =	vmul.f32 $8.192000000e+03, v17;
	v23 =	vld [tilespmem:s22+$0x0];
	v21 =	vcvt.f32.s32 v21  }
0x8a: {  	v9 =	vmin.u32 v9, $0x1FFF;
	v15 =	vtrunc.f32 v15;
	v18 =	vmul.f32 $8.192000000e+03, v18;
	v24 =	vld [tilespmem:s22+$0x10]  }
0x8b: {  	v16 =	vtrunc.f32 v16;
	v19 =	vmul.f32 $8.192000000e+03, v19;
	v25 =	vld [tilespmem:s22+$0x20];
	vm0 =	vgt.s32 v21, $0x0  }
0x8c: {  	v17 =	vtrunc.f32 v17;
	v20 =	vmul.f32 $8.192000000e+03, v20;
	v26 =	vld [tilespmem:s22+$0x30];
	v21 =	vnsel vm0, $0x0, v21  }
0x8d: {  	v18 =	vtrunc.f32 v18;
	v22 =	vmul.f32 $8.192000000e+03, v22;
	v27 =	vld [tilespmem:s22+$0x40];
	v21 =	vmin.u32 v21, $0x1FFF  }
0x8e: {  	v6 =	vmin.u32 v6, $0x1FFF;
	v19 =	vtrunc.f32 v19;
	v23 =	vmul.f32 $8.192000000e+03, v23;
	v28 =	vld [tilespmem:s22+$0x50]  }
0x8f: {  	v14 =	vmin.u32 v14, $0x1FFF;
	v20 =	vtrunc.f32 v20;
	v24 =	vmul.f32 $8.192000000e+03, v24;
	v29 =	vld [tilespmem:s22+$0x60]  }
0x90: {  	v7 =	vmin.u32 v7, $0x1FFF;
	v22 =	vtrunc.f32 v22;
	v30 =	vld [tilespmem:s22+$0xFFFFFF00];
	v25 =	vmul.f32 $8.192000000e+03, v25  }
0x91: {  	v13 =	vmin.u32 v13, $0x1FFF;
	v23 =	vtrunc.f32 v23;
	v26 =	vmul.f32 $8.192000000e+03, v26;
	v5 =	vld.idx.msk [tilespmem:v5+s4+$0x0], $0xffff  }
0x92: {  	v10 =	vmin.u32 v10, $0x1FFF;
	v24 =	vtrunc.f32 v24;
	v27 =	vmul.f32 $8.192000000e+03, v27;
	v21 =	vld.idx.msk [tilespmem:v21+s4+$0x0], $0xffff  }
0x93: {  	v11 =	vmin.u32 v11, $0x1FFF;
	v25 =	vtrunc.f32 v25;
	v28 =	vmul.f32 $8.192000000e+03, v28;
	v31 =	vld.idx.msk [tilespmem:v0+s4+$0x0], $0xffff  }
0x94: {  	v32 =	vmin.u32 v8, $0x1FFF;
	v26 =	vtrunc.f32 v26;
	v0 =	vmul.f32 $8.192000000e+03, v29;
	v29 =	vld.idx.msk [tilespmem:v3+s4+$0x0], $0xffff  }
0x95: {  	v27 =	vtrunc.f32 v27;
	v3 =	vmul.f32 $8.192000000e+03, v30;
	v8 =	vld.idx.msk [tilespmem:v9+s4+$0x0], $0xffff;
	v30 =	vmin.u32 v12, $0x1FFF  }
0x96: {  	v34 =	vmin.u32 v2, $0x1FFF;
	v28 =	vtrunc.f32 v28;
	v33 =	vtrunc.f32 v0;
	v12 =	vld.idx.msk [tilespmem:v6+s4+$0x0], $0xffff  }
0x97: {  	v36 =	vmin.u32 v4, $0x1FFF;
	s19 =	sadd.s32 $0x200, s19;
	v0 =	vcvt.f32.s32 v15;
	v2 =	vtrunc.f32 v3;
	[tilespmem:s18+$0xFFFFFF00] =	vst v5;
	v35 =	vld.idx.msk [tilespmem:v14+s4+$0x0], $0xffff  }
0x98: {  	v37 =	vmin.u32 v1, $0x1FFF;
	v3 =	vcvt.f32.s32 v16;
	v5 =	vcvt.f32.s32 v2;
	[tilespmem:s19+$0x70] =	vst v21;
	v21 =	vld.idx.msk [tilespmem:v7+s4+$0x0], $0xffff  }
0x99: {  	v9 =	vcvt.f32.s32 v17;
	v6 =	vcvt.f32.s32 v18;
	vm0 =	vgt.s32 v0, $0x0;
	[tilespmem:s18+$0xFFFFFF10] =	vst v31;
	v31 =	vld.idx.msk [tilespmem:v13+s4+$0x0], $0xffff  }
0x9a: {  	v14 =	vcvt.f32.s32 v19;
	v7 =	vcvt.f32.s32 v20;
	vm1 =	vgt.s32 v5, $0x0;
	[tilespmem:s18+$0xFFFFFF20] =	vst v29;
	v20 =	vld.idx.msk [tilespmem:v10+s4+$0x0], $0xffff  }
0x9b: {  	vm2 =	vgt.s32 v3, $0x0;
	v13 =	vcvt.f32.s32 v22;
	v10 =	vcvt.f32.s32 v23;
	[tilespmem:s18+$0xFFFFFF30] =	vst v8;
	v15 =	vld.idx.msk [tilespmem:v11+s4+$0x0], $0xffff  }
.Ltmp4:
0x9c: {  	vm3 =	vgt.s32 v9, $0x0;
	v11 =	vcvt.f32.s32 v24;
	v8 =	vcvt.f32.s32 v25;
	[tilespmem:s18+$0xFFFFFF40] =	vst v12;
	v16 =	vld.idx.msk [tilespmem:v32+s4+$0x0], $0xffff;
	(pc) =	sbr.rel @p1 .LBB2_7-.Ltmp4, $4  }
0x9d: {  	vm4 =	vgt.s32 v6, $0x0;
	v2 =	vcvt.f32.s32 v27;
	v12 =	vcvt.f32.s32 v26;
	[tilespmem:s18+$0xFFFFFF50] =	vst v35;
	v17 =	vld.idx.msk [tilespmem:v30+s4+$0x0], $0xffff  }
0x9e: {  	v4 =	vcvt.f32.s32 v28;
	v1 =	vcvt.f32.s32 v33;
	vm7 =	vgt.s32 v14, $0x0;
	[tilespmem:s18+$0xFFFFFF60] =	vst v21;
	v18 =	vld.idx.msk [tilespmem:v34+s4+$0x0], $0xffff  }
0x9f: {  	vm11 =	vgt.s32 v7, $0x0;
	vm10 =	vgt.s32 v13, $0x0;
	vm8 =	vgt.s32 v10, $0x0;
	[tilespmem:s18+$0xFFFFFF70] =	vst v31;
	v19 =	vld.idx.msk [tilespmem:v36+s4+$0x0], $0xffff  }
0xa0: {  	s22 =	sadd.s32 $0x200, s22;
	vm9 =	vgt.s32 v11, $0x0;
	vm6 =	vgt.s32 v8, $0x0;
	vm5 =	vgt.s32 v12, $0x0;
	[tilespmem:s18+$0x0] =	vst v20;
	v20 =	vld.idx.msk [tilespmem:v37+s4+$0x0], $0xffff  }
0xa1: {  	v5 =	vnsel vm1, $0x0, v5  }
0xa2: {  	v0 =	vnsel vm0, $0x0, v0;
	v5 =	vmin.u32 v5, $0x1FFF  }
0xa3: {  	v3 =	vnsel vm2, $0x0, v3;
	v0 =	vmin.u32 v0, $0x1FFF  }
0xa4: {  	v9 =	vnsel vm3, $0x0, v9;
	v3 =	vmin.u32 v3, $0x1FFF  }
0xa5: {  	v6 =	vnsel vm4, $0x0, v6;
	v9 =	vmin.u32 v9, $0x1FFF  }
0xa6: {  	[tilespmem:s18+$0x10] =	vst v15;
	v14 =	vnsel vm7, $0x0, v14;
	v6 =	vmin.u32 v6, $0x1FFF  }
0xa7: {  	[tilespmem:s18+$0x20] =	vst v16;
	v7 =	vnsel vm11, $0x0, v7;
	v14 =	vmin.u32 v14, $0x1FFF;
	v5 =	vld.idx.msk [tilespmem:v5+s4+$0x0], $0xffff  }
0xa8: {  	v13 =	vnsel vm10, $0x0, v13;
	[tilespmem:s18+$0x30] =	vst v17;
	v7 =	vmin.u32 v7, $0x1FFF;
	v0 =	vld.idx.msk [tilespmem:v0+s4+$0x0], $0xffff  }
0xa9: {  	v10 =	vnsel vm8, $0x0, v10;
	v13 =	vmin.u32 v13, $0x1FFF;
	[tilespmem:s18+$0x40] =	vst v18;
	v3 =	vld.idx.msk [tilespmem:v3+s4+$0x0], $0xffff  }
0xaa: {  	v11 =	vnsel vm9, $0x0, v11;
	v10 =	vmin.u32 v10, $0x1FFF;
	[tilespmem:s18+$0x50] =	vst v19;
	v9 =	vld.idx.msk [tilespmem:v9+s4+$0x0], $0xffff  }
0xab: {  	v8 =	vnsel vm6, $0x0, v8;
	v11 =	vmin.u32 v11, $0x1FFF;
	[tilespmem:s18+$0x60] =	vst v20;
	v6 =	vld.idx.msk [tilespmem:v6+s4+$0x0], $0xffff  }
0xac: {  	vm13 =	vgt.s32 v2, $0x0;
	v12 =	vnsel vm5, $0x0, v12;
	v8 =	vmin.u32 v8, $0x1FFF;
	v57 =	vld.idx.msk [tilespmem:v14+s4+$0x0], $0xffff;
	[tilespmem:s19+$0xFFFFFF00] =	vst v5  }
0xad: {  	vm15 =	vgt.s32 v1, $0x0;
	v2 =	vnsel vm13, $0x0, v2;
	v12 =	vmin.u32 v12, $0x1FFF;
	v7 =	vld.idx.msk [tilespmem:v7+s4+$0x0], $0xffff;
	[tilespmem:s19+$0xFFFFFF10] =	vst v0  }
0xae: {  	vm14 =	vgt.s32 v4, $0x0;
	v1 =	vnsel vm15, $0x0, v1;
	v2 =	vmin.u32 v2, $0x1FFF;
	v59 =	vld.idx.msk [tilespmem:v13+s4+$0x0], $0xffff;
	[tilespmem:s19+$0xFFFFFF20] =	vst v3  }
0xaf: {  	v58 =	vnsel vm14, $0x0, v4;
	v1 =	vmin.u32 v1, $0x1FFF;
	v60 =	vld.idx.msk [tilespmem:v10+s4+$0x0], $0xffff;
	[tilespmem:s19+$0xFFFFFF30] =	vst v9  }
0xb0: {  	v61 =	vld.idx.msk [tilespmem:v11+s4+$0x0], $0xffff;
	v0 =	vmin.u32 v58, $0x1FFF;
	[tilespmem:s19+$0xFFFFFF40] =	vst v6  }
0xb1: {  	v62 =	vld.idx.msk [tilespmem:v8+s4+$0x0], $0xffff;
	[tilespmem:s19+$0xFFFFFF50] =	vst v57  }
0xb2: {  	v63 =	vld.idx.msk [tilespmem:v12+s4+$0x0], $0xffff;
	[tilespmem:s19+$0xFFFFFF60] =	vst v7  }
0xb3: {  	v2 =	vld.idx.msk [tilespmem:v2+s4+$0x0], $0xffff;
	[tilespmem:s19+$0xFFFFFF70] =	vst v59  }
0xb4: {  	v1 =	vld.idx.msk [tilespmem:v1+s4+$0x0], $0xffff;
	[tilespmem:s19+$0x0] =	vst v60  }
0xb5: {  	[tilespmem:s19+$0x10] =	vst v61;
	v0 =	vld.idx.msk [tilespmem:v0+s4+$0x0], $0xffff  }
0xb6: {  	[tilespmem:s19+$0x20] =	vst v62  }
0xb7: {  	[tilespmem:s19+$0x30] =	vst v63  }
0xb8: {  	s18 =	sshrl.u32 s20, $0x3;
	[tilespmem:s19+$0x40] =	vst v2  }
0xb9: {  	s21 =	simm.s32 $0x12000;
	s20 =	sadd.s32 s3, s18;
	[tilespmem:s19+$0x60] =	vst v1  }
0xba: {  	s22 =	simm.s32 $0x12100;
	s23 =	sadd.s32 $0x0, s20;
	[tilespmem:s19+$0x50] =	vst v0;
	s19 =	simm.s32 $0x10  }
.LBB2_9:
0xbb: {  	[hbm4b:s23+s4] =	stream.linear.scatter [tilespmem:s21], [sflag:$0x3], $0x80, $0x38;
	[tilespmem:$0x1A000] =	vst v63  }
0xbc: {  	s23 =	smov.u32 s19;
	s21 =	smov.u32 s22;
	p1 =	sne.s32 s19, $0x7F0  }
.Ltmp5:
0xbd: {  	s19 =	sadd.s32 $0x10, s19;
	(pc) =	sbr.rel @p1 .LBB2_9-.Ltmp5, $2  }
0xbe: {  	_ =	sdelay $0x2  }
0xbf: {  	s22 =	sadd.s32 $0x100, s22;
	s23 =	sadd.s32 s23, s20  }
0xc0: {  	[hbm4b:s23+s4] =	stream.linear.scatter [tilespmem:s21], [sflag:$0x3], $0x80, $0x38;
	[tilespmem:$0x1A000] =	vst v63  }
0xc1: {  	s19 =	simm.s32 @!p0 $0x4  }
0xc2: {  	_ =	swait.ge @!p0 [sflag:s19], $0x4000  }
0xc3: {  	[sflag:s19] =	ssyncset.done @!p0 $0x0  }
0xc4: {  	[sflag:s19] =	ssyncadd.s32 @!p0 $0xFFFFC000;
	s19 =	simm.s32 $0x0  }
0xc5: {  	v0 =	vld [tilespmem:s19+$0xA170]  }
0xc6: {  	v1 =	vld [tilespmem:s19+$0xA000]  }
0xc7: {  	v2 =	vld [tilespmem:s19+$0xA010]  }
0xc8: {  	v3 =	vld [tilespmem:s19+$0xA020]  }
0xc9: {  	v4 =	vld [tilespmem:s19+$0xA030]  }
0xca: {  	v5 =	vld [tilespmem:s19+$0xA040]  }
0xcb: {  	v6 =	vld [tilespmem:s19+$0xA050]  }
0xcc: {  	v7 =	vld [tilespmem:s19+$0xA060]  }
0xcd: {  	v8 =	vld [tilespmem:s19+$0xA070]  }
0xce: {  	v9 =	vld [tilespmem:s19+$0xA100]  }
0xcf: {  	v10 =	vld [tilespmem:s19+$0xA110]  }
0xd0: {  	v11 =	vld [tilespmem:s19+$0xA120]  }
0xd1: {  	v12 =	vld [tilespmem:s19+$0xA130]  }
0xd2: {  	v13 =	vld [tilespmem:s19+$0xA140]  }
0xd3: {  	v14 =	vld [tilespmem:s19+$0xA150]  }
0xd4: {  	s20 =	simm.s32 $0x200;
	v15 =	vld [tilespmem:s19+$0xA160]  }
0xd5: {  	v16 =	vld [tilespmem:s20+$0xA170]  }
0xd6: {  	v17 =	vld [tilespmem:s20+$0xA000]  }
0xd7: {  	v18 =	vld [tilespmem:s20+$0xA010]  }
0xd8: {  	v19 =	vld [tilespmem:s20+$0xA020];
	v0 =	vmul.f32 $8.192000000e+03, v0;
	v1 =	vmul.f32 $8.192000000e+03, v1  }
0xd9: {  	v20 =	vld [tilespmem:s20+$0xA030];
	v2 =	vmul.f32 $8.192000000e+03, v2;
	v3 =	vmul.f32 $8.192000000e+03, v3  }
0xda: {  	v21 =	vld [tilespmem:s20+$0xA040];
	v4 =	vmul.f32 $8.192000000e+03, v4;
	v5 =	vmul.f32 $8.192000000e+03, v5  }
0xdb: {  	v22 =	vld [tilespmem:s20+$0xA050];
	v6 =	vmul.f32 $8.192000000e+03, v6;
	v7 =	vmul.f32 $8.192000000e+03, v7  }
0xdc: {  	v23 =	vld [tilespmem:s20+$0xA060];
	v8 =	vmul.f32 $8.192000000e+03, v8;
	v9 =	vmul.f32 $8.192000000e+03, v9  }
0xdd: {  	v24 =	vld [tilespmem:s20+$0xA070];
	v10 =	vmul.f32 $8.192000000e+03, v10;
	v11 =	vmul.f32 $8.192000000e+03, v11  }
0xde: {  	v25 =	vld [tilespmem:s20+$0xA100];
	v12 =	vmul.f32 $8.192000000e+03, v12;
	v13 =	vmul.f32 $8.192000000e+03, v13  }
0xdf: {  	v26 =	vld [tilespmem:s20+$0xA110];
	v14 =	vmul.f32 $8.192000000e+03, v14;
	v15 =	vmul.f32 $8.192000000e+03, v15  }
0xe0: {  	v27 =	vld [tilespmem:s20+$0xA120];
	v16 =	vmul.f32 $8.192000000e+03, v16;
	v17 =	vmul.f32 $8.192000000e+03, v17  }
0xe1: {  	v29 =	vld [tilespmem:s20+$0xA140];
	v18 =	vmul.f32 $8.192000000e+03, v18;
	v19 =	vmul.f32 $8.192000000e+03, v19  }
0xe2: {  	v20 =	vmul.f32 $8.192000000e+03, v20;
	v21 =	vmul.f32 $8.192000000e+03, v21  }
0xe3: {  	v22 =	vmul.f32 $8.192000000e+03, v22;
	v23 =	vmul.f32 $8.192000000e+03, v23  }
0xe4: {  	v24 =	vmul.f32 $8.192000000e+03, v24;
	v25 =	vmul.f32 $8.192000000e+03, v25  }
0xe5: {  	v26 =	vmul.f32 $8.192000000e+03, v26;
	v27 =	vmul.f32 $8.192000000e+03, v27  }
0xe6: {  	v58 =	vmul.f32 $8.192000000e+03, v29;
	v0 =	vtrunc.f32 v0  }
0xe7: {  	v1 =	vtrunc.f32 v1;
	v2 =	vtrunc.f32 v2  }
0xe8: {  	v3 =	vtrunc.f32 v3;
	v4 =	vtrunc.f32 v4  }
0xe9: {  	v5 =	vtrunc.f32 v5;
	v6 =	vtrunc.f32 v6  }
0xea: {  	v7 =	vtrunc.f32 v7;
	v8 =	vtrunc.f32 v8  }
0xeb: {  	v9 =	vtrunc.f32 v9;
	v10 =	vtrunc.f32 v10  }
0xec: {  	v11 =	vtrunc.f32 v11;
	v12 =	vtrunc.f32 v12  }
0xed: {  	v13 =	vtrunc.f32 v13;
	v14 =	vtrunc.f32 v14  }
0xee: {  	v15 =	vtrunc.f32 v15;
	v16 =	vtrunc.f32 v16  }
0xef: {  	v17 =	vtrunc.f32 v17;
	v18 =	vtrunc.f32 v18  }
0xf0: {  	v19 =	vtrunc.f32 v19;
	v20 =	vtrunc.f32 v20  }
0xf1: {  	v21 =	vtrunc.f32 v21;
	v22 =	vtrunc.f32 v22  }
0xf2: {  	v23 =	vtrunc.f32 v23;
	v24 =	vtrunc.f32 v24  }
0xf3: {  	v25 =	vtrunc.f32 v25;
	v26 =	vtrunc.f32 v26  }
0xf4: {  	v27 =	vtrunc.f32 v27;
	v0 =	vcvt.f32.s32 v0  }
0xf5: {  	v1 =	vcvt.f32.s32 v1;
	v2 =	vcvt.f32.s32 v2  }
0xf6: {  	v3 =	vcvt.f32.s32 v3;
	v4 =	vcvt.f32.s32 v4  }
0xf7: {  	v5 =	vcvt.f32.s32 v5;
	v6 =	vcvt.f32.s32 v6  }
0xf8: {  	v7 =	vcvt.f32.s32 v7;
	v8 =	vcvt.f32.s32 v8  }
0xf9: {  	v9 =	vcvt.f32.s32 v9;
	v10 =	vcvt.f32.s32 v10  }
0xfa: {  	v11 =	vcvt.f32.s32 v11;
	v12 =	vcvt.f32.s32 v12  }
0xfb: {  	v13 =	vcvt.f32.s32 v13;
	v14 =	vcvt.f32.s32 v14  }
0xfc: {  	v15 =	vcvt.f32.s32 v15;
	v16 =	vcvt.f32.s32 v16;
	vm0 =	vgt.s32 v0, $0x0  }
0xfd: {  	vm1 =	vgt.s32 v2, $0x0;
	vm2 =	vgt.s32 v3, $0x0;
	vm3 =	vgt.s32 v4, $0x0  }
0xfe: {  	vm4 =	vgt.s32 v5, $0x0;
	vm5 =	vgt.s32 v6, $0x0;
	vm6 =	vgt.s32 v7, $0x0  }
0xff: {  	vm7 =	vgt.s32 v8, $0x0;
	vm8 =	vgt.s32 v9, $0x0;
	vm9 =	vgt.s32 v10, $0x0  }
0x100: {  	vm10 =	vgt.s32 v11, $0x0;
	vm11 =	vgt.s32 v12, $0x0;
	vm12 =	vgt.s32 v13, $0x0  }
0x101: {  	vm13 =	vgt.s32 v14, $0x0;
	vm14 =	vgt.s32 v15, $0x0;
	v0 =	vnsel vm0, $0x0, v0  }
0x102: {  	vm0 =	vgt.s32 v1, $0x0;
	v2 =	vnsel vm1, $0x0, v2;
	v3 =	vnsel vm2, $0x0, v3  }
0x103: {  	v4 =	vnsel vm3, $0x0, v4;
	v5 =	vnsel vm4, $0x0, v5;
	v0 =	vmin.u32 v0, $0x1FFF  }
0x104: {  	v6 =	vnsel vm5, $0x0, v6;
	v7 =	vnsel vm6, $0x0, v7;
	v2 =	vmin.u32 v2, $0x1FFF  }
0x105: {  	v28 =	vld [tilespmem:s20+$0xA130];
	v8 =	vnsel vm7, $0x0, v8;
	v9 =	vnsel vm8, $0x0, v9;
	v3 =	vmin.u32 v3, $0x1FFF  }
0x106: {  	v30 =	vld [tilespmem:s20+$0xA150];
	v10 =	vnsel vm9, $0x0, v10;
	v11 =	vnsel vm10, $0x0, v11;
	v4 =	vmin.u32 v4, $0x1FFF  }
0x107: {  	v31 =	vld [tilespmem:s20+$0xA160];
	v12 =	vnsel vm11, $0x0, v12;
	v13 =	vnsel vm12, $0x0, v13;
	v5 =	vmin.u32 v5, $0x1FFF  }
0x108: {  	v1 =	vnsel vm0, $0x0, v1;
	vm0 =	vgt.s32 v16, $0x0;
	v6 =	vmin.u32 v6, $0x1FFF;
	v0 =	vld.idx.msk [tilespmem:v0+s4+$0x0], $0xffff  }
0x109: {  	v14 =	vnsel vm13, $0x0, v14;
	v7 =	vmin.u32 v7, $0x1FFF;
	v16 =	vnsel vm0, $0x0, v16;
	v2 =	vld.idx.msk [tilespmem:v2+s4+$0x0], $0xffff  }
0x10a: {  	v8 =	vmin.u32 v8, $0x1FFF;
	v9 =	vmin.u32 v9, $0x1FFF;
	v16 =	vmin.u32 v16, $0x1FFF;
	v3 =	vld.idx.msk [tilespmem:v3+s4+$0x0], $0xffff  }
0x10b: {  	v59 =	vmin.u32 v10, $0x1FFF;
	v10 =	vmul.f32 $8.192000000e+03, v30;
	v60 =	vmin.u32 v11, $0x1FFF;
	v4 =	vld.idx.msk [tilespmem:v4+s4+$0x0], $0xffff  }
0x10c: {  	v11 =	vmul.f32 $8.192000000e+03, v31;
	v61 =	vmin.u32 v12, $0x1FFF;
	v1 =	vmin.u32 v1, $0x1FFF;
	v34 =	vld.idx.msk [tilespmem:v5+s4+$0x0], $0xffff  }
0x10d: {  	v37 =	vmin.u32 v14, $0x1FFF;
	v12 =	vcvt.f32.s32 v20;
	v14 =	vcvt.f32.s32 v22;
	v63 =	vld.idx.msk [tilespmem:v6+s4+$0x0], $0xffff  }
0x10e: {  	v35 =	vmin.u32 v13, $0x1FFF;
	v13 =	vcvt.f32.s32 v24;
	v5 =	vcvt.f32.s32 v19;
	v19 =	vld.idx.msk [tilespmem:v7+s4+$0x0], $0xffff;
	[tilespmem:s19+$0x121F0] =	vst v0  }
0x10f: {  	v15 =	vnsel vm14, $0x0, v15;
	v62 =	vtrunc.f32 v10;
	v36 =	vtrunc.f32 v11;
	v16 =	vld.idx.msk [tilespmem:v16+s4+$0x0], $0xffff;
	[tilespmem:s19+$0x12090] =	vst v2  }
0x110: {  	v15 =	vmin.u32 v15, $0x1FFF;
	v10 =	vcvt.f32.s32 v21;
	v11 =	vcvt.f32.s32 v25;
	v21 =	vld.idx.msk [tilespmem:v8+s4+$0x0], $0xffff;
	[tilespmem:s19+$0x120A0] =	vst v3  }
0x111: {  	vm3 =	vgt.s32 v12, $0x0;
	vm6 =	vgt.s32 v14, $0x0;
	v32 =	vld.idx.msk [tilespmem:v1+s4+$0x0], $0xffff;
	v1 =	vmul.f32 $8.192000000e+03, v28;
	[tilespmem:s19+$0x120B0] =	vst v4  }
0x112: {  	vm7 =	vgt.s32 v13, $0x0;
	vm4 =	vgt.s32 v10, $0x0;
	v6 =	vcvt.f32.s32 v18;
	v18 =	vld.idx.msk [tilespmem:v60+s4+$0x0], $0xffff;
	[tilespmem:s19+$0x120C0] =	vst v34  }
0x113: {  	vm5 =	vgt.s32 v11, $0x0;
	v33 =	vtrunc.f32 v1;
	v1 =	vcvt.f32.s32 v17;
	v17 =	vld.idx.msk [tilespmem:v9+s4+$0x0], $0xffff;
	[tilespmem:s19+$0x120D0] =	vst v63  }
0x114: {  	v8 =	vcvt.f32.s32 v23;
	vm1 =	vgt.s32 v6, $0x0;
	v9 =	vcvt.f32.s32 v26;
	[tilespmem:s20+$0x121F0] =	vst v16;
	v16 =	vld.idx.msk [tilespmem:v59+s4+$0x0], $0xffff  }
0x115: {  	v20 =	vld.idx.msk [tilespmem:v61+s4+$0x0], $0xffff;
	vm2 =	vgt.s32 v5, $0x0;
	v7 =	vcvt.f32.s32 v33;
	v0 =	vtrunc.f32 v58;
	[tilespmem:s19+$0x120E0] =	vst v19  }
0x116: {  	vm8 =	vgt.s32 v8, $0x0;
	v4 =	vcvt.f32.s32 v27;
	v3 =	vcvt.f32.s32 v62;
	v19 =	vld.idx.msk [tilespmem:v35+s4+$0x0], $0xffff;
	[tilespmem:s19+$0x120F0] =	vst v21  }
0x117: {  	s21 =	simm.s32 $0x100;
	s22 =	simm.s32 $0x1000;
	vm0 =	vgt.s32 v1, $0x0;
	v21 =	vld.idx.msk [tilespmem:v37+s4+$0x0], $0xffff;
	[tilespmem:s19+$0x12080] =	vst v32;
	v2 =	vcvt.f32.s32 v0;
	v0 =	vcvt.f32.s32 v36  }
.LBB2_11:
0x118: {  	s23 =	sshra.s32 s22, $0x2;
	s21 =	sadd.s32 $0x100, s21;
	vm10 =	vgt.s32 v9, $0x0;
	vm11 =	vgt.s32 v4, $0x0;
	vm12 =	vgt.s32 v7, $0x0;
	[tilespmem:s19+$0x12180] =	vst v17;
	v15 =	vld.idx.msk [tilespmem:v15+s4+$0x0], $0xffff  }
0x119: {  	vm13 =	vgt.s32 v2, $0x0;
	vm14 =	vgt.s32 v3, $0x0;
	vm9 =	vgt.s32 v0, $0x0;
	v17 =	vld [tilespmem:s23+$0xA170];
	p0 =	slt.u32 s21, $0x3F00;
	[tilespmem:s19+$0x12190] =	vst v16  }
0x11a: {  	v1 =	vnsel vm0, $0x0, v1;
	v6 =	vnsel vm1, $0x0, v6;
	v5 =	vnsel vm2, $0x0, v5;
	v16 =	vld [tilespmem:s23+$0xA000];
	[tilespmem:s19+$0x121A0] =	vst v18  }
0x11b: {  	v12 =	vnsel vm3, $0x0, v12;
	v10 =	vnsel vm4, $0x0, v10;
	v14 =	vnsel vm6, $0x0, v14;
	v18 =	vld [tilespmem:s23+$0xA010];
	[tilespmem:s19+$0x121B0] =	vst v20  }
0x11c: {  	v8 =	vnsel vm8, $0x0, v8;
	v13 =	vnsel vm7, $0x0, v13;
	v11 =	vnsel vm5, $0x0, v11;
	v20 =	vld [tilespmem:s23+$0xA020];
	[tilespmem:s19+$0x121C0] =	vst v19  }
0x11d: {  	v9 =	vnsel vm10, $0x0, v9;
	v4 =	vnsel vm11, $0x0, v4;
	v7 =	vnsel vm12, $0x0, v7;
	v19 =	vld [tilespmem:s23+$0xA030];
	[tilespmem:s19+$0x121D0] =	vst v21  }
0x11e: {  	v2 =	vnsel vm13, $0x0, v2;
	v3 =	vnsel vm14, $0x0, v3;
	v21 =	vld [tilespmem:s23+$0xA040];
	v17 =	vmul.f32 $8.192000000e+03, v17;
	[tilespmem:s19+$0x121E0] =	vst v15;
	s19 =	smov.u32 s20;
	s20 =	smov.u32 s23  }
0x11f: {  	v1 =	vmin.u32 v1, $0x1FFF;
	v0 =	vnsel vm9, $0x0, v0;
	v15 =	vmul.f32 $8.192000000e+03, v16;
	v16 =	vld [tilespmem:s20+$0xA050]  }
0x120: {  	v6 =	vmin.u32 v6, $0x1FFF;
	v18 =	vmul.f32 $8.192000000e+03, v18;
	v22 =	vld [tilespmem:s20+$0xA060];
	v17 =	vtrunc.f32 v17  }
0x121: {  	v5 =	vmin.u32 v5, $0x1FFF;
	v20 =	vmul.f32 $8.192000000e+03, v20;
	v23 =	vld [tilespmem:s20+$0xA070];
	v17 =	vcvt.f32.s32 v17  }
0x122: {  	v12 =	vmin.u32 v12, $0x1FFF;
	v15 =	vtrunc.f32 v15;
	v19 =	vmul.f32 $8.192000000e+03, v19;
	v24 =	vld [tilespmem:s20+$0xA100]  }
0x123: {  	v18 =	vtrunc.f32 v18;
	v21 =	vmul.f32 $8.192000000e+03, v21;
	v25 =	vld [tilespmem:s20+$0xA110];
	vm0 =	vgt.s32 v17, $0x0  }
0x124: {  	v20 =	vtrunc.f32 v20;
	v16 =	vmul.f32 $8.192000000e+03, v16;
	v26 =	vld [tilespmem:s20+$0xA120];
	v17 =	vnsel vm0, $0x0, v17  }
0x125: {  	v19 =	vtrunc.f32 v19;
	v22 =	vmul.f32 $8.192000000e+03, v22;
	v27 =	vld [tilespmem:s20+$0xA130];
	v17 =	vmin.u32 v17, $0x1FFF  }
0x126: {  	v10 =	vmin.u32 v10, $0x1FFF;
	v21 =	vtrunc.f32 v21;
	v23 =	vmul.f32 $8.192000000e+03, v23;
	v28 =	vld [tilespmem:s20+$0xA140]  }
0x127: {  	v14 =	vmin.u32 v14, $0x1FFF;
	v16 =	vtrunc.f32 v16;
	v24 =	vmul.f32 $8.192000000e+03, v24;
	v29 =	vld [tilespmem:s20+$0xA150]  }
0x128: {  	v8 =	vmin.u32 v8, $0x1FFF;
	v22 =	vtrunc.f32 v22;
	v25 =	vmul.f32 $8.192000000e+03, v25;
	v30 =	vld [tilespmem:s20+$0xA160]  }
0x129: {  	v13 =	vmin.u32 v13, $0x1FFF;
	v23 =	vtrunc.f32 v23;
	v26 =	vmul.f32 $8.192000000e+03, v26;
	v31 =	vld.idx.msk [tilespmem:v1+s4+$0x0], $0xffff  }
0x12a: {  	v11 =	vmin.u32 v11, $0x1FFF;
	v24 =	vtrunc.f32 v24;
	v1 =	vmul.f32 $8.192000000e+03, v27;
	v17 =	vld.idx.msk [tilespmem:v17+s4+$0x0], $0xffff  }
0x12b: {  	v9 =	vmin.u32 v9, $0x1FFF;
	v25 =	vtrunc.f32 v25;
	v27 =	vmul.f32 $8.192000000e+03, v28;
	v28 =	vld.idx.msk [tilespmem:v6+s4+$0x0], $0xffff  }
0x12c: {  	v32 =	vmin.u32 v4, $0x1FFF;
	v26 =	vtrunc.f32 v26;
	v6 =	vmul.f32 $8.192000000e+03, v29;
	v29 =	vld.idx.msk [tilespmem:v5+s4+$0x0], $0xffff  }
0x12d: {  	v34 =	vmin.u32 v7, $0x1FFF;
	v33 =	vtrunc.f32 v1;
	v4 =	vmul.f32 $8.192000000e+03, v30;
	v30 =	vld.idx.msk [tilespmem:v12+s4+$0x0], $0xffff  }
0x12e: {  	v36 =	vmin.u32 v2, $0x1FFF;
	v27 =	vtrunc.f32 v27;
	v35 =	vtrunc.f32 v6;
	v7 =	vld.idx.msk [tilespmem:v10+s4+$0x0], $0xffff  }
0x12f: {  	v38 =	vmin.u32 v3, $0x1FFF;
	v1 =	vcvt.f32.s32 v15;
	v37 =	vtrunc.f32 v4;
	[tilespmem:s19+$0x12080] =	vst v31;
	v31 =	vld.idx.msk [tilespmem:v14+s4+$0x0], $0xffff  }
0x130: {  	v5 =	vcvt.f32.s32 v20;
	v15 =	vmin.u32 v0, $0x1FFF;
	v6 =	vcvt.f32.s32 v18;
	[tilespmem:s20+$0x121F0] =	vst v17;
	v39 =	vld.idx.msk [tilespmem:v8+s4+$0x0], $0xffff  }
0x131: {  	v12 =	vcvt.f32.s32 v19;
	vm0 =	vgt.s32 v1, $0x0;
	v10 =	vcvt.f32.s32 v21;
	[tilespmem:s19+$0x12090] =	vst v28;
	v21 =	vld.idx.msk [tilespmem:v13+s4+$0x0], $0xffff  }
0x132: {  	v14 =	vcvt.f32.s32 v16;
	vm1 =	vgt.s32 v6, $0x0;
	v8 =	vcvt.f32.s32 v22;
	[tilespmem:s19+$0x120A0] =	vst v29;
	v17 =	vld.idx.msk [tilespmem:v11+s4+$0x0], $0xffff  }
.Ltmp6:
0x133: {  	vm2 =	vgt.s32 v5, $0x0;
	v13 =	vcvt.f32.s32 v23;
	v11 =	vcvt.f32.s32 v24;
	[tilespmem:s19+$0x120B0] =	vst v30;
	v16 =	vld.idx.msk [tilespmem:v9+s4+$0x0], $0xffff;
	(pc) =	sbr.rel @p0 .LBB2_11-.Ltmp6, $4  }
0x134: {  	vm3 =	vgt.s32 v12, $0x0;
	v4 =	vcvt.f32.s32 v26;
	v9 =	vcvt.f32.s32 v25;
	[tilespmem:s19+$0x120C0] =	vst v7;
	v18 =	vld.idx.msk [tilespmem:v32+s4+$0x0], $0xffff  }
0x135: {  	v2 =	vcvt.f32.s32 v27;
	vm4 =	vgt.s32 v10, $0x0;
	v7 =	vcvt.f32.s32 v33;
	[tilespmem:s19+$0x120D0] =	vst v31;
	v20 =	vld.idx.msk [tilespmem:v34+s4+$0x0], $0xffff  }
0x136: {  	v3 =	vcvt.f32.s32 v35;
	v0 =	vcvt.f32.s32 v37;
	vm6 =	vgt.s32 v14, $0x0;
	[tilespmem:s19+$0x120E0] =	vst v39;
	v19 =	vld.idx.msk [tilespmem:v36+s4+$0x0], $0xffff  }
0x137: {  	s22 =	sadd.s32 $0x800, s22;
	vm8 =	vgt.s32 v8, $0x0;
	vm7 =	vgt.s32 v13, $0x0;
	vm5 =	vgt.s32 v11, $0x0;
	[tilespmem:s19+$0x120F0] =	vst v21;
	v21 =	vld.idx.msk [tilespmem:v38+s4+$0x0], $0xffff  }
0x138: {  	v1 =	vnsel vm0, $0x0, v1  }
0x139: {  	v6 =	vnsel vm1, $0x0, v6;
	v1 =	vmin.u32 v1, $0x1FFF  }
0x13a: {  	v5 =	vnsel vm2, $0x0, v5;
	v6 =	vmin.u32 v6, $0x1FFF  }
0x13b: {  	v12 =	vnsel vm3, $0x0, v12;
	v5 =	vmin.u32 v5, $0x1FFF  }
0x13c: {  	[tilespmem:s19+$0x12180] =	vst v17;
	v10 =	vnsel vm4, $0x0, v10;
	v12 =	vmin.u32 v12, $0x1FFF  }
0x13d: {  	v15 =	vld.idx.msk [tilespmem:v15+s4+$0x0], $0xffff;
	[tilespmem:s19+$0x12190] =	vst v16;
	v14 =	vnsel vm6, $0x0, v14;
	v10 =	vmin.u32 v10, $0x1FFF  }
0x13e: {  	v8 =	vnsel vm8, $0x0, v8;
	[tilespmem:s19+$0x121A0] =	vst v18;
	v14 =	vmin.u32 v14, $0x1FFF;
	v1 =	vld.idx.msk [tilespmem:v1+s4+$0x0], $0xffff  }
0x13f: {  	v13 =	vnsel vm7, $0x0, v13;
	v8 =	vmin.u32 v8, $0x1FFF;
	[tilespmem:s19+$0x121B0] =	vst v20;
	v6 =	vld.idx.msk [tilespmem:v6+s4+$0x0], $0xffff  }
0x140: {  	vm10 =	vgt.s32 v9, $0x0;
	v11 =	vnsel vm5, $0x0, v11;
	v13 =	vmin.u32 v13, $0x1FFF;
	[tilespmem:s19+$0x121C0] =	vst v19;
	v5 =	vld.idx.msk [tilespmem:v5+s4+$0x0], $0xffff  }
0x141: {  	vm11 =	vgt.s32 v4, $0x0;
	v9 =	vnsel vm10, $0x0, v9;
	v11 =	vmin.u32 v11, $0x1FFF;
	[tilespmem:s19+$0x121D0] =	vst v21;
	v12 =	vld.idx.msk [tilespmem:v12+s4+$0x0], $0xffff  }
0x142: {  	vm12 =	vgt.s32 v7, $0x0;
	v4 =	vnsel vm11, $0x0, v4;
	v9 =	vmin.u32 v9, $0x1FFF;
	[tilespmem:s19+$0x121E0] =	vst v15;
	v10 =	vld.idx.msk [tilespmem:v10+s4+$0x0], $0xffff  }
0x143: {  	vm13 =	vgt.s32 v2, $0x0;
	v7 =	vnsel vm12, $0x0, v7;
	v4 =	vmin.u32 v4, $0x1FFF;
	v60 =	vld.idx.msk [tilespmem:v14+s4+$0x0], $0xffff;
	[tilespmem:s20+$0x12080] =	vst v1  }
0x144: {  	vm14 =	vgt.s32 v3, $0x0;
	v2 =	vnsel vm13, $0x0, v2;
	v7 =	vmin.u32 v7, $0x1FFF;
	v8 =	vld.idx.msk [tilespmem:v8+s4+$0x0], $0xffff;
	[tilespmem:s20+$0x12090] =	vst v6  }
0x145: {  	vm15 =	vgt.s32 v0, $0x0;
	v3 =	vnsel vm14, $0x0, v3;
	v2 =	vmin.u32 v2, $0x1FFF;
	v61 =	vld.idx.msk [tilespmem:v13+s4+$0x0], $0xffff;
	[tilespmem:s20+$0x120A0] =	vst v5  }
0x146: {  	v0 =	vnsel vm15, $0x0, v0;
	v3 =	vmin.u32 v3, $0x1FFF;
	v62 =	vld.idx.msk [tilespmem:v11+s4+$0x0], $0xffff;
	[tilespmem:s20+$0x120B0] =	vst v12  }
0x147: {  	v0 =	vmin.u32 v0, $0x1FFF;
	v9 =	vld.idx.msk [tilespmem:v9+s4+$0x0], $0xffff;
	[tilespmem:s20+$0x120C0] =	vst v10  }
0x148: {  	v4 =	vld.idx.msk [tilespmem:v4+s4+$0x0], $0xffff;
	[tilespmem:s20+$0x120D0] =	vst v60  }
0x149: {  	v63 =	vld.idx.msk [tilespmem:v7+s4+$0x0], $0xffff;
	[tilespmem:s20+$0x120E0] =	vst v8  }
0x14a: {  	v2 =	vld.idx.msk [tilespmem:v2+s4+$0x0], $0xffff;
	[tilespmem:s20+$0x120F0] =	vst v61  }
0x14b: {  	v3 =	vld.idx.msk [tilespmem:v3+s4+$0x0], $0xffff;
	[tilespmem:s20+$0x12180] =	vst v62  }
0x14c: {  	v0 =	vld.idx.msk [tilespmem:v0+s4+$0x0], $0xffff;
	[tilespmem:s20+$0x12190] =	vst v9  }
0x14d: {  	[tilespmem:s20+$0x121A0] =	vst v4  }
0x14e: {  	[tilespmem:s20+$0x121B0] =	vst v63  }
0x14f: {  	[tilespmem:s20+$0x121C0] =	vst v2  }
0x150: {  	s21 =	simm.s32 $0x12080;
	s19 =	sadd.s32 s18, s9;
	[tilespmem:s20+$0x121D0] =	vst v3  }
0x151: {  	s22 =	simm.s32 $0x12180;
	s23 =	sadd.s32 $0x0, s19;
	[tilespmem:s20+$0x121E0] =	vst v0;
	s20 =	simm.s32 $0x10  }
.LBB2_13:
0x152: {  	[hbm4b:s23+s4] =	stream.linear.scatter [tilespmem:s21], [sflag:$0x4], $0x80, $0x38;
	[tilespmem:$0x1A000] =	vst v63  }
0x153: {  	s23 =	smov.u32 s20;
	s21 =	smov.u32 s22;
	p0 =	sne.s32 s20, $0x7F0  }
.Ltmp7:
0x154: {  	s20 =	sadd.s32 $0x10, s20;
	(pc) =	sbr.rel @p0 .LBB2_13-.Ltmp7, $2  }
0x155: {  	_ =	sdelay $0x2  }
0x156: {  	s22 =	sadd.s32 $0x100, s22;
	s23 =	sadd.s32 s23, s19  }
0x157: {  	p0 =	seq.s32 s17, $0x7  }
.Ltmp8:
0x158: {  	_ = 	snop;
	(pc) =	sbr.rel @p0 .LBB2_18-.Ltmp8, $2  }
0x159: {  	_ =	sdelay $0x2  }
0x15a: {  	[hbm4b:s23+s4] =	stream.linear.scatter [tilespmem:s21], [sflag:$0x4], $0x80, $0x38;
	[tilespmem:$0x1A000] =	vst v63  }
0x15b: {  	s19 =	sadd.s32 s1, s18  }
0x15c: {  	s20 =	simm.s32 $0x2000;
	s19 =	sadd.s32 $0x2000, s19  }
0x15d: {  	s21 =	simm.s32 $0x10;
	s22 =	simm.s32 $0x2100;
	s23 =	sadd.s32 $0x0, s19  }
.LBB2_16:
0x15e: {  	[tilespmem:s20], [sflag:$0x1] =	stream.linear.gather [hbm4b:s23+s4], $0x80, $0x38;
	[tilespmem:$0x1A000] =	vst v63  }
0x15f: {  	s23 =	smov.u32 s21;
	s20 =	smov.u32 s22;
	p1 =	sne.s32 s21, $0xFF0  }
.Ltmp9:
0x160: {  	s21 =	sadd.s32 $0x10, s21;
	(pc) =	sbr.rel @p1 .LBB2_16-.Ltmp9, $2  }
0x161: {  	_ =	sdelay $0x2  }
0x162: {  	s22 =	sadd.s32 $0x100, s22;
	s23 =	sadd.s32 s23, s19  }
0x163: {  	[tilespmem:s20], [sflag:$0x1] =	stream.linear.gather [hbm4b:s23+s4], $0x80, $0x38;
	[tilespmem:$0x1A000] =	vst v63  }
.LBB2_18:
0x164: {  	_ =	swait.ge [sflag:s13], $0x8000  }
0x165: {  	[sflag:s13] =	ssyncset.done $0x0  }
0x166: {  	[sflag:s13] =	ssyncadd.s32 $0xFFFF8000  }
0x167: {  	_ =	swait.ge [sflag:s14], $0x4000  }
0x168: {  	[sflag:s14] =	ssyncset.done $0x0  }
0x169: {  	s19 =	simm.s32 $0x2180;
	[sflag:s14] =	ssyncadd.s32 $0xFFFFC000  }
0x16a: {  	v0 =	vld [tilespmem:s19+$0x70]  }
0x16b: {  	v1 =	vld [tilespmem:s19+$0xFFFFFF10]  }
0x16c: {  	v2 =	vld [tilespmem:s19+$0xFFFFFF20]  }
0x16d: {  	v3 =	vld [tilespmem:s19+$0xFFFFFF30]  }
0x16e: {  	v4 =	vld [tilespmem:s19+$0xFFFFFF40]  }
0x16f: {  	v5 =	vld [tilespmem:s19+$0xFFFFFF50]  }
0x170: {  	v6 =	vld [tilespmem:s19+$0xFFFFFF60]  }
0x171: {  	v7 =	vld [tilespmem:s19+$0xFFFFFF70]  }
0x172: {  	v8 =	vld [tilespmem:s19+$0x0]  }
0x173: {  	v9 =	vld [tilespmem:s19+$0x10]  }
0x174: {  	v10 =	vld [tilespmem:s19+$0x20]  }
0x175: {  	v11 =	vld [tilespmem:s19+$0x30]  }
0x176: {  	v12 =	vld [tilespmem:s19+$0x40]  }
0x177: {  	v13 =	vld [tilespmem:s19+$0x50]  }
0x178: {  	v14 =	vld [tilespmem:s19+$0x60]  }
0x179: {  	s31 =	simm.s32 $0x2380;
	v15 =	vld [tilespmem:s19+$0xFFFFFF00]  }
0x17a: {  	v16 =	vld [tilespmem:s31+$0x70]  }
0x17b: {  	v17 =	vld [tilespmem:s31+$0xFFFFFF10]  }
0x17c: {  	v18 =	vld [tilespmem:s31+$0xFFFFFF20]  }
0x17d: {  	v19 =	vld [tilespmem:s31+$0xFFFFFF30];
	v0 =	vmul.f32 $8.192000000e+03, v0  }
0x17e: {  	v20 =	vld [tilespmem:s31+$0xFFFFFF40];
	v1 =	vmul.f32 $8.192000000e+03, v1;
	v2 =	vmul.f32 $8.192000000e+03, v2  }
0x17f: {  	v21 =	vld [tilespmem:s31+$0xFFFFFF50];
	v3 =	vmul.f32 $8.192000000e+03, v3;
	v4 =	vmul.f32 $8.192000000e+03, v4  }
0x180: {  	v22 =	vld [tilespmem:s31+$0xFFFFFF60];
	v5 =	vmul.f32 $8.192000000e+03, v5;
	v6 =	vmul.f32 $8.192000000e+03, v6  }
0x181: {  	v23 =	vld [tilespmem:s31+$0xFFFFFF70];
	v7 =	vmul.f32 $8.192000000e+03, v7;
	v8 =	vmul.f32 $8.192000000e+03, v8  }
0x182: {  	v24 =	vld [tilespmem:s31+$0x0];
	v9 =	vmul.f32 $8.192000000e+03, v9;
	v10 =	vmul.f32 $8.192000000e+03, v10  }
0x183: {  	v25 =	vld [tilespmem:s31+$0x10];
	v11 =	vmul.f32 $8.192000000e+03, v11;
	v12 =	vmul.f32 $8.192000000e+03, v12  }
0x184: {  	v26 =	vld [tilespmem:s31+$0x20];
	v13 =	vmul.f32 $8.192000000e+03, v13;
	v14 =	vmul.f32 $8.192000000e+03, v14  }
0x185: {  	v27 =	vld [tilespmem:s31+$0x30];
	v15 =	vmul.f32 $8.192000000e+03, v15;
	v16 =	vmul.f32 $8.192000000e+03, v16  }
0x186: {  	v28 =	vld [tilespmem:s31+$0x40];
	v17 =	vmul.f32 $8.192000000e+03, v17;
	v18 =	vmul.f32 $8.192000000e+03, v18  }
0x187: {  	v29 =	vld [tilespmem:s31+$0x50];
	v19 =	vmul.f32 $8.192000000e+03, v19;
	v20 =	vmul.f32 $8.192000000e+03, v20  }
0x188: {  	v21 =	vmul.f32 $8.192000000e+03, v21;
	v22 =	vmul.f32 $8.192000000e+03, v22  }
0x189: {  	v23 =	vmul.f32 $8.192000000e+03, v23;
	v24 =	vmul.f32 $8.192000000e+03, v24  }
0x18a: {  	v25 =	vmul.f32 $8.192000000e+03, v25;
	v26 =	vmul.f32 $8.192000000e+03, v26  }
0x18b: {  	v27 =	vmul.f32 $8.192000000e+03, v27;
	v28 =	vmul.f32 $8.192000000e+03, v28  }
0x18c: {  	v29 =	vmul.f32 $8.192000000e+03, v29;
	v0 =	vtrunc.f32 v0  }
0x18d: {  	v1 =	vtrunc.f32 v1;
	v2 =	vtrunc.f32 v2  }
0x18e: {  	v3 =	vtrunc.f32 v3;
	v4 =	vtrunc.f32 v4  }
0x18f: {  	v5 =	vtrunc.f32 v5;
	v6 =	vtrunc.f32 v6  }
0x190: {  	v7 =	vtrunc.f32 v7;
	v8 =	vtrunc.f32 v8  }
0x191: {  	v9 =	vtrunc.f32 v9;
	v10 =	vtrunc.f32 v10  }
0x192: {  	v11 =	vtrunc.f32 v11;
	v12 =	vtrunc.f32 v12  }
0x193: {  	v13 =	vtrunc.f32 v13;
	v14 =	vtrunc.f32 v14  }
0x194: {  	v15 =	vtrunc.f32 v15;
	v16 =	vtrunc.f32 v16  }
0x195: {  	v17 =	vtrunc.f32 v17;
	v18 =	vtrunc.f32 v18  }
0x196: {  	v19 =	vtrunc.f32 v19;
	v20 =	vtrunc.f32 v20  }
0x197: {  	v21 =	vtrunc.f32 v21;
	v22 =	vtrunc.f32 v22  }
0x198: {  	v23 =	vtrunc.f32 v23;
	v24 =	vtrunc.f32 v24  }
0x199: {  	v25 =	vtrunc.f32 v25;
	v26 =	vtrunc.f32 v26  }
0x19a: {  	v27 =	vtrunc.f32 v27;
	v28 =	vtrunc.f32 v28  }
0x19b: {  	v29 =	vtrunc.f32 v29;
	v0 =	vcvt.f32.s32 v0  }
0x19c: {  	v1 =	vcvt.f32.s32 v1;
	v15 =	vcvt.f32.s32 v15  }
0x19d: {  	v2 =	vcvt.f32.s32 v2;
	v3 =	vcvt.f32.s32 v3  }
0x19e: {  	v4 =	vcvt.f32.s32 v4;
	v5 =	vcvt.f32.s32 v5  }
0x19f: {  	v6 =	vcvt.f32.s32 v6;
	v7 =	vcvt.f32.s32 v7  }
0x1a0: {  	v8 =	vcvt.f32.s32 v8;
	v9 =	vcvt.f32.s32 v9  }
0x1a1: {  	v10 =	vcvt.f32.s32 v10;
	v11 =	vcvt.f32.s32 v11  }
0x1a2: {  	v12 =	vcvt.f32.s32 v12;
	v13 =	vcvt.f32.s32 v13  }
0x1a3: {  	v14 =	vcvt.f32.s32 v14;
	v16 =	vcvt.f32.s32 v16;
	vm0 =	vgt.s32 v0, $0x0  }
0x1a4: {  	vm1 =	vgt.s32 v15, $0x0;
	vm2 =	vgt.s32 v2, $0x0;
	vm3 =	vgt.s32 v3, $0x0  }
0x1a5: {  	vm4 =	vgt.s32 v4, $0x0;
	vm5 =	vgt.s32 v5, $0x0;
	vm6 =	vgt.s32 v6, $0x0  }
0x1a6: {  	vm7 =	vgt.s32 v7, $0x0;
	vm8 =	vgt.s32 v8, $0x0;
	vm9 =	vgt.s32 v9, $0x0  }
0x1a7: {  	vm10 =	vgt.s32 v10, $0x0;
	vm11 =	vgt.s32 v11, $0x0;
	vm13 =	vgt.s32 v13, $0x0  }
0x1a8: {  	vm14 =	vgt.s32 v14, $0x0;
	v0 =	vnsel vm0, $0x0, v0;
	vm0 =	vgt.s32 v1, $0x0  }
0x1a9: {  	v15 =	vnsel vm1, $0x0, v15;
	v2 =	vnsel vm2, $0x0, v2;
	v0 =	vmin.u32 v0, $0x1FFF  }
0x1aa: {  	v3 =	vnsel vm3, $0x0, v3;
	v4 =	vnsel vm4, $0x0, v4;
	v15 =	vmin.u32 v15, $0x1FFF  }
0x1ab: {  	v5 =	vnsel vm5, $0x0, v5;
	v6 =	vnsel vm6, $0x0, v6;
	v2 =	vmin.u32 v2, $0x1FFF  }
0x1ac: {  	v30 =	vld [tilespmem:s31+$0x60];
	v7 =	vnsel vm7, $0x0, v7;
	v8 =	vnsel vm8, $0x0, v8;
	v3 =	vmin.u32 v3, $0x1FFF  }
0x1ad: {  	v31 =	vld [tilespmem:s31+$0xFFFFFF00];
	v9 =	vnsel vm9, $0x0, v9;
	v10 =	vnsel vm10, $0x0, v10;
	v4 =	vmin.u32 v4, $0x1FFF  }
0x1ae: {  	v1 =	vnsel vm0, $0x0, v1;
	vm0 =	vgt.s32 v16, $0x0;
	v7 =	vmin.u32 v7, $0x1FFF;
	v0 =	vld.idx.msk [tilespmem:v0+s4+$0x0], $0xffff  }
0x1af: {  	v11 =	vnsel vm11, $0x0, v11;
	v1 =	vmin.u32 v1, $0x1FFF;
	v16 =	vnsel vm0, $0x0, v16;
	v15 =	vld.idx.msk [tilespmem:v15+s4+$0x0], $0xffff  }
0x1b0: {  	v13 =	vnsel vm13, $0x0, v13;
	v14 =	vnsel vm14, $0x0, v14;
	v16 =	vmin.u32 v16, $0x1FFF;
	v2 =	vld.idx.msk [tilespmem:v2+s4+$0x0], $0xffff  }
0x1b1: {  	v5 =	vmin.u32 v5, $0x1FFF;
	v32 =	vmin.u32 v9, $0x1FFF;
	v9 =	vmul.f32 $8.192000000e+03, v30;
	v63 =	vld.idx.msk [tilespmem:v3+s4+$0x0], $0xffff  }
0x1b2: {  	v6 =	vmin.u32 v6, $0x1FFF;
	v62 =	vmin.u32 v10, $0x1FFF;
	v10 =	vmul.f32 $8.192000000e+03, v31;
	v4 =	vld.idx.msk [tilespmem:v4+s4+$0x0], $0xffff  }
0x1b3: {  	s19 =	simm.s32 $0x12100;
	v8 =	vmin.u32 v8, $0x1FFF;
	v34 =	vtrunc.f32 v9;
	v9 =	vcvt.f32.s32 v19;
	v19 =	vld.idx.msk [tilespmem:v7+s4+$0x0], $0xffff  }
0x1b4: {  	v33 =	vmin.u32 v11, $0x1FFF;
	v37 =	vmin.u32 v14, $0x1FFF;
	v14 =	vcvt.f32.s32 v21;
	v1 =	vld.idx.msk [tilespmem:v1+s4+$0x0], $0xffff;
	[tilespmem:s19+$0x70] =	vst v0  }
0x1b5: {  	v36 =	vmin.u32 v13, $0x1FFF;
	v13 =	vcvt.f32.s32 v23;
	v11 =	vcvt.f32.s32 v25;
	v16 =	vld.idx.msk [tilespmem:v16+s4+$0x0], $0xffff;
	[tilespmem:s19+$0xFFFFFF00] =	vst v15  }
0x1b6: {  	vm12 =	vgt.s32 v12, $0x0;
	v3 =	vtrunc.f32 v10;
	v0 =	vcvt.f32.s32 v17;
	v17 =	vld.idx.msk [tilespmem:v5+s4+$0x0], $0xffff;
	[tilespmem:s19+$0xFFFFFF20] =	vst v2  }
0x1b7: {  	v12 =	vnsel vm12, $0x0, v12;
	v5 =	vcvt.f32.s32 v3;
	v3 =	vcvt.f32.s32 v18;
	v18 =	vld.idx.msk [tilespmem:v6+s4+$0x0], $0xffff;
	[tilespmem:s19+$0xFFFFFF30] =	vst v63  }
0x1b8: {  	v35 =	vmin.u32 v12, $0x1FFF;
	v12 =	vcvt.f32.s32 v27;
	v6 =	vcvt.f32.s32 v20;
	v20 =	vld.idx.msk [tilespmem:v8+s4+$0x0], $0xffff;
	[tilespmem:s19+$0xFFFFFF40] =	vst v4  }
0x1b9: {  	vm9 =	vgt.s32 v14, $0x0;
	vm10 =	vgt.s32 v13, $0x0;
	v7 =	vcvt.f32.s32 v22;
	v15 =	vld.idx.msk [tilespmem:v32+s4+$0x0], $0xffff;
	[tilespmem:s19+$0xFFFFFF70] =	vst v19  }
0x1ba: {  	s20 =	simm.s32 $0x12300;
	vm8 =	vgt.s32 v11, $0x0;
	vm4 =	vgt.s32 v12, $0x0;
	v10 =	vcvt.f32.s32 v24;
	v19 =	vld.idx.msk [tilespmem:v36+s4+$0x0], $0xffff;
	[tilespmem:s19+$0xFFFFFF10] =	vst v1  }
0x1bb: {  	vm3 =	vgt.s32 v9, $0x0;
	vm11 =	vgt.s32 v7, $0x0;
	v8 =	vcvt.f32.s32 v26;
	[tilespmem:s20+$0x70] =	vst v16;
	v16 =	vld.idx.msk [tilespmem:v62+s4+$0x0], $0xffff  }
0x1bc: {  	vm7 =	vgt.s32 v10, $0x0;
	v2 =	vcvt.f32.s32 v28;
	v4 =	vcvt.f32.s32 v29;
	[tilespmem:s19+$0xFFFFFF50] =	vst v17;
	v17 =	vld.idx.msk [tilespmem:v33+s4+$0x0], $0xffff  }
0x1bd: {  	v1 =	vcvt.f32.s32 v34;
	vm0 =	vgt.s32 v0, $0x0;
	vm1 =	vgt.s32 v5, $0x0;
	[tilespmem:s19+$0xFFFFFF60] =	vst v18;
	v18 =	vld.idx.msk [tilespmem:v35+s4+$0x0], $0xffff  }
0x1be: {  	s21 =	simm.s32 $0x100;
	s22 =	simm.s32 $0x2580;
	vm2 =	vgt.s32 v3, $0x0;
	vm5 =	vgt.s32 v6, $0x0;
	vm6 =	vgt.s32 v8, $0x0;
	[tilespmem:s19+$0x0] =	vst v20;
	v20 =	vld.idx.msk [tilespmem:v37+s4+$0x0], $0xffff  }
.LBB2_19:
0x1bf: {  	v21 =	vld [tilespmem:s22+$0x70];
	s21 =	sadd.s32 $0x100, s21;
	vm13 =	vgt.s32 v2, $0x0;
	vm14 =	vgt.s32 v4, $0x0;
	vm12 =	vgt.s32 v1, $0x0;
	[tilespmem:s19+$0x10] =	vst v15  }
0x1c0: {  	v5 =	vnsel vm1, $0x0, v5;
	v0 =	vnsel vm0, $0x0, v0;
	v3 =	vnsel vm2, $0x0, v3;
	v15 =	vld [tilespmem:s22+$0xFFFFFF10];
	p1 =	slt.u32 s21, $0x3F00;
	[tilespmem:s19+$0x20] =	vst v16  }
0x1c1: {  	v9 =	vnsel vm3, $0x0, v9;
	v6 =	vnsel vm5, $0x0, v6;
	v14 =	vnsel vm9, $0x0, v14;
	v16 =	vld [tilespmem:s22+$0xFFFFFF20];
	[tilespmem:s19+$0x30] =	vst v17  }
0x1c2: {  	v7 =	vnsel vm11, $0x0, v7;
	v13 =	vnsel vm10, $0x0, v13;
	v10 =	vnsel vm7, $0x0, v10;
	v17 =	vld [tilespmem:s22+$0xFFFFFF30];
	[tilespmem:s19+$0x40] =	vst v18  }
0x1c3: {  	v11 =	vnsel vm8, $0x0, v11;
	v8 =	vnsel vm6, $0x0, v8;
	v12 =	vnsel vm4, $0x0, v12;
	v18 =	vld [tilespmem:s22+$0xFFFFFF40];
	[tilespmem:s19+$0x50] =	vst v19  }
0x1c4: {  	v2 =	vnsel vm13, $0x0, v2;
	v4 =	vnsel vm14, $0x0, v4;
	v19 =	vld [tilespmem:s22+$0xFFFFFF50];
	v21 =	vmul.f32 $8.192000000e+03, v21;
	[tilespmem:s19+$0x60] =	vst v20;
	s19 =	smov.u32 s20  }
0x1c5: {  	v5 =	vmin.u32 v5, $0x1FFF;
	v1 =	vnsel vm12, $0x0, v1;
	v15 =	vmul.f32 $8.192000000e+03, v15;
	v20 =	vld [tilespmem:s22+$0xFFFFFF60]  }
0x1c6: {  	v0 =	vmin.u32 v0, $0x1FFF;
	v16 =	vmul.f32 $8.192000000e+03, v16;
	v22 =	vld [tilespmem:s22+$0xFFFFFF70];
	v21 =	vtrunc.f32 v21  }
0x1c7: {  	v3 =	vmin.u32 v3, $0x1FFF;
	v17 =	vmul.f32 $8.192000000e+03, v17;
	v23 =	vld [tilespmem:s22+$0x0];
	v21 =	vcvt.f32.s32 v21  }
0x1c8: {  	v9 =	vmin.u32 v9, $0x1FFF;
	v15 =	vtrunc.f32 v15;
	v18 =	vmul.f32 $8.192000000e+03, v18;
	v24 =	vld [tilespmem:s22+$0x10]  }
0x1c9: {  	v16 =	vtrunc.f32 v16;
	v19 =	vmul.f32 $8.192000000e+03, v19;
	v25 =	vld [tilespmem:s22+$0x20];
	vm0 =	vgt.s32 v21, $0x0  }
0x1ca: {  	v17 =	vtrunc.f32 v17;
	v20 =	vmul.f32 $8.192000000e+03, v20;
	v26 =	vld [tilespmem:s22+$0x30];
	v21 =	vnsel vm0, $0x0, v21  }
0x1cb: {  	v18 =	vtrunc.f32 v18;
	v22 =	vmul.f32 $8.192000000e+03, v22;
	v27 =	vld [tilespmem:s22+$0x40];
	v21 =	vmin.u32 v21, $0x1FFF  }
0x1cc: {  	v6 =	vmin.u32 v6, $0x1FFF;
	v19 =	vtrunc.f32 v19;
	v23 =	vmul.f32 $8.192000000e+03, v23;
	v28 =	vld [tilespmem:s22+$0x50]  }
0x1cd: {  	v14 =	vmin.u32 v14, $0x1FFF;
	v20 =	vtrunc.f32 v20;
	v24 =	vmul.f32 $8.192000000e+03, v24;
	v29 =	vld [tilespmem:s22+$0x60]  }
0x1ce: {  	v7 =	vmin.u32 v7, $0x1FFF;
	v22 =	vtrunc.f32 v22;
	v30 =	vld [tilespmem:s22+$0xFFFFFF00];
	v25 =	vmul.f32 $8.192000000e+03, v25  }
0x1cf: {  	v13 =	vmin.u32 v13, $0x1FFF;
	v23 =	vtrunc.f32 v23;
	v26 =	vmul.f32 $8.192000000e+03, v26;
	v5 =	vld.idx.msk [tilespmem:v5+s4+$0x0], $0xffff  }
0x1d0: {  	v10 =	vmin.u32 v10, $0x1FFF;
	v24 =	vtrunc.f32 v24;
	v27 =	vmul.f32 $8.192000000e+03, v27;
	v21 =	vld.idx.msk [tilespmem:v21+s4+$0x0], $0xffff  }
0x1d1: {  	v11 =	vmin.u32 v11, $0x1FFF;
	v25 =	vtrunc.f32 v25;
	v28 =	vmul.f32 $8.192000000e+03, v28;
	v31 =	vld.idx.msk [tilespmem:v0+s4+$0x0], $0xffff  }
0x1d2: {  	v32 =	vmin.u32 v8, $0x1FFF;
	v26 =	vtrunc.f32 v26;
	v0 =	vmul.f32 $8.192000000e+03, v29;
	v29 =	vld.idx.msk [tilespmem:v3+s4+$0x0], $0xffff  }
0x1d3: {  	v27 =	vtrunc.f32 v27;
	v3 =	vmul.f32 $8.192000000e+03, v30;
	v8 =	vld.idx.msk [tilespmem:v9+s4+$0x0], $0xffff;
	v30 =	vmin.u32 v12, $0x1FFF  }
0x1d4: {  	v34 =	vmin.u32 v2, $0x1FFF;
	v28 =	vtrunc.f32 v28;
	v33 =	vtrunc.f32 v0;
	v12 =	vld.idx.msk [tilespmem:v6+s4+$0x0], $0xffff  }
0x1d5: {  	v36 =	vmin.u32 v4, $0x1FFF;
	s20 =	sadd.s32 $0x200, s20;
	v0 =	vcvt.f32.s32 v15;
	v2 =	vtrunc.f32 v3;
	[tilespmem:s19+$0xFFFFFF00] =	vst v5;
	v35 =	vld.idx.msk [tilespmem:v14+s4+$0x0], $0xffff  }
0x1d6: {  	v37 =	vmin.u32 v1, $0x1FFF;
	v3 =	vcvt.f32.s32 v16;
	v5 =	vcvt.f32.s32 v2;
	[tilespmem:s20+$0x70] =	vst v21;
	v21 =	vld.idx.msk [tilespmem:v7+s4+$0x0], $0xffff  }
0x1d7: {  	v9 =	vcvt.f32.s32 v17;
	v6 =	vcvt.f32.s32 v18;
	vm0 =	vgt.s32 v0, $0x0;
	[tilespmem:s19+$0xFFFFFF10] =	vst v31;
	v31 =	vld.idx.msk [tilespmem:v13+s4+$0x0], $0xffff  }
0x1d8: {  	v14 =	vcvt.f32.s32 v19;
	v7 =	vcvt.f32.s32 v20;
	vm1 =	vgt.s32 v5, $0x0;
	[tilespmem:s19+$0xFFFFFF20] =	vst v29;
	v20 =	vld.idx.msk [tilespmem:v10+s4+$0x0], $0xffff  }
0x1d9: {  	vm2 =	vgt.s32 v3, $0x0;
	v13 =	vcvt.f32.s32 v22;
	v10 =	vcvt.f32.s32 v23;
	[tilespmem:s19+$0xFFFFFF30] =	vst v8;
	v15 =	vld.idx.msk [tilespmem:v11+s4+$0x0], $0xffff  }
.Ltmp10:
0x1da: {  	vm3 =	vgt.s32 v9, $0x0;
	v11 =	vcvt.f32.s32 v24;
	v8 =	vcvt.f32.s32 v25;
	[tilespmem:s19+$0xFFFFFF40] =	vst v12;
	v16 =	vld.idx.msk [tilespmem:v32+s4+$0x0], $0xffff;
	(pc) =	sbr.rel @p1 .LBB2_19-.Ltmp10, $4  }
0x1db: {  	vm5 =	vgt.s32 v6, $0x0;
	v2 =	vcvt.f32.s32 v27;
	v12 =	vcvt.f32.s32 v26;
	[tilespmem:s19+$0xFFFFFF50] =	vst v35;
	v17 =	vld.idx.msk [tilespmem:v30+s4+$0x0], $0xffff  }
0x1dc: {  	v4 =	vcvt.f32.s32 v28;
	v1 =	vcvt.f32.s32 v33;
	vm9 =	vgt.s32 v14, $0x0;
	[tilespmem:s19+$0xFFFFFF60] =	vst v21;
	v18 =	vld.idx.msk [tilespmem:v34+s4+$0x0], $0xffff  }
0x1dd: {  	vm11 =	vgt.s32 v7, $0x0;
	vm10 =	vgt.s32 v13, $0x0;
	vm7 =	vgt.s32 v10, $0x0;
	[tilespmem:s19+$0xFFFFFF70] =	vst v31;
	v19 =	vld.idx.msk [tilespmem:v36+s4+$0x0], $0xffff  }
0x1de: {  	s22 =	sadd.s32 $0x200, s22;
	vm8 =	vgt.s32 v11, $0x0;
	vm6 =	vgt.s32 v8, $0x0;
	vm4 =	vgt.s32 v12, $0x0;
	[tilespmem:s19+$0x0] =	vst v20;
	v20 =	vld.idx.msk [tilespmem:v37+s4+$0x0], $0xffff  }
0x1df: {  	v5 =	vnsel vm1, $0x0, v5  }
0x1e0: {  	v0 =	vnsel vm0, $0x0, v0;
	v5 =	vmin.u32 v5, $0x1FFF  }
0x1e1: {  	v3 =	vnsel vm2, $0x0, v3;
	v0 =	vmin.u32 v0, $0x1FFF  }
0x1e2: {  	v9 =	vnsel vm3, $0x0, v9;
	v3 =	vmin.u32 v3, $0x1FFF  }
0x1e3: {  	v6 =	vnsel vm5, $0x0, v6;
	v9 =	vmin.u32 v9, $0x1FFF  }
0x1e4: {  	[tilespmem:s19+$0x10] =	vst v15;
	v14 =	vnsel vm9, $0x0, v14;
	v6 =	vmin.u32 v6, $0x1FFF  }
0x1e5: {  	[tilespmem:s19+$0x20] =	vst v16;
	v7 =	vnsel vm11, $0x0, v7;
	v14 =	vmin.u32 v14, $0x1FFF;
	v5 =	vld.idx.msk [tilespmem:v5+s4+$0x0], $0xffff  }
0x1e6: {  	v13 =	vnsel vm10, $0x0, v13;
	[tilespmem:s19+$0x30] =	vst v17;
	v7 =	vmin.u32 v7, $0x1FFF;
	v0 =	vld.idx.msk [tilespmem:v0+s4+$0x0], $0xffff  }
0x1e7: {  	v10 =	vnsel vm7, $0x0, v10;
	v13 =	vmin.u32 v13, $0x1FFF;
	[tilespmem:s19+$0x40] =	vst v18;
	v3 =	vld.idx.msk [tilespmem:v3+s4+$0x0], $0xffff  }
0x1e8: {  	v11 =	vnsel vm8, $0x0, v11;
	v10 =	vmin.u32 v10, $0x1FFF;
	[tilespmem:s19+$0x50] =	vst v19;
	v9 =	vld.idx.msk [tilespmem:v9+s4+$0x0], $0xffff  }
0x1e9: {  	v8 =	vnsel vm6, $0x0, v8;
	v11 =	vmin.u32 v11, $0x1FFF;
	[tilespmem:s19+$0x60] =	vst v20;
	v6 =	vld.idx.msk [tilespmem:v6+s4+$0x0], $0xffff  }
0x1ea: {  	vm13 =	vgt.s32 v2, $0x0;
	v12 =	vnsel vm4, $0x0, v12;
	v8 =	vmin.u32 v8, $0x1FFF;
	v57 =	vld.idx.msk [tilespmem:v14+s4+$0x0], $0xffff;
	[tilespmem:s20+$0xFFFFFF00] =	vst v5  }
0x1eb: {  	vm15 =	vgt.s32 v1, $0x0;
	v2 =	vnsel vm13, $0x0, v2;
	v12 =	vmin.u32 v12, $0x1FFF;
	v7 =	vld.idx.msk [tilespmem:v7+s4+$0x0], $0xffff;
	[tilespmem:s20+$0xFFFFFF10] =	vst v0  }
0x1ec: {  	vm14 =	vgt.s32 v4, $0x0;
	v1 =	vnsel vm15, $0x0, v1;
	v2 =	vmin.u32 v2, $0x1FFF;
	v59 =	vld.idx.msk [tilespmem:v13+s4+$0x0], $0xffff;
	[tilespmem:s20+$0xFFFFFF20] =	vst v3  }
0x1ed: {  	v58 =	vnsel vm14, $0x0, v4;
	v1 =	vmin.u32 v1, $0x1FFF;
	v60 =	vld.idx.msk [tilespmem:v10+s4+$0x0], $0xffff;
	[tilespmem:s20+$0xFFFFFF30] =	vst v9  }
0x1ee: {  	v61 =	vld.idx.msk [tilespmem:v11+s4+$0x0], $0xffff;
	v0 =	vmin.u32 v58, $0x1FFF;
	[tilespmem:s20+$0xFFFFFF40] =	vst v6  }
0x1ef: {  	v62 =	vld.idx.msk [tilespmem:v8+s4+$0x0], $0xffff;
	[tilespmem:s20+$0xFFFFFF50] =	vst v57  }
0x1f0: {  	v63 =	vld.idx.msk [tilespmem:v12+s4+$0x0], $0xffff;
	[tilespmem:s20+$0xFFFFFF60] =	vst v7  }
0x1f1: {  	v2 =	vld.idx.msk [tilespmem:v2+s4+$0x0], $0xffff;
	[tilespmem:s20+$0xFFFFFF70] =	vst v59  }
0x1f2: {  	v1 =	vld.idx.msk [tilespmem:v1+s4+$0x0], $0xffff;
	[tilespmem:s20+$0x0] =	vst v60  }
0x1f3: {  	[tilespmem:s20+$0x10] =	vst v61;
	v0 =	vld.idx.msk [tilespmem:v0+s4+$0x0], $0xffff  }
0x1f4: {  	[tilespmem:s20+$0x20] =	vst v62  }
0x1f5: {  	[tilespmem:s20+$0x30] =	vst v63  }
0x1f6: {  	s19 =	sor.u32 $0x1000, s18;
	[tilespmem:s20+$0x40] =	vst v2  }
0x1f7: {  	s22 =	simm.s32 $0x12000;
	s21 =	sadd.s32 s3, s19;
	[tilespmem:s20+$0x60] =	vst v1  }
0x1f8: {  	s23 =	simm.s32 $0x12100;
	s24 =	sadd.s32 $0x0, s21;
	[tilespmem:s20+$0x50] =	vst v0;
	s20 =	simm.s32 $0x10  }
.LBB2_21:
0x1f9: {  	[hbm4b:s24+s4] =	stream.linear.scatter [tilespmem:s22], [sflag:$0x3], $0x80, $0x38;
	[tilespmem:$0x1A000] =	vst v63  }
0x1fa: {  	s24 =	smov.u32 s20;
	s22 =	smov.u32 s23;
	p1 =	sne.s32 s20, $0x7F0  }
.Ltmp11:
0x1fb: {  	s20 =	sadd.s32 $0x10, s20;
	(pc) =	sbr.rel @p1 .LBB2_21-.Ltmp11, $2  }
0x1fc: {  	_ =	sdelay $0x2  }
0x1fd: {  	s23 =	sadd.s32 $0x100, s23;
	s24 =	sadd.s32 s24, s21  }
0x1fe: {  	[hbm4b:s24+s4] =	stream.linear.scatter [tilespmem:s22], [sflag:$0x3], $0x80, $0x38;
	[tilespmem:$0x1A000] =	vst v63  }
0x1ff: {  	_ =	swait.ge [sflag:s15], $0x4000  }
0x200: {  	[sflag:s15] =	ssyncset.done $0x0  }
0x201: {  	s20 =	simm.s32 $0x0;
	[sflag:s15] =	ssyncadd.s32 $0xFFFFC000  }
0x202: {  	v0 =	vld [tilespmem:s20+$0xA1F0]  }
0x203: {  	v1 =	vld [tilespmem:s20+$0xA080]  }
0x204: {  	v2 =	vld [tilespmem:s20+$0xA090]  }
0x205: {  	v3 =	vld [tilespmem:s20+$0xA0A0]  }
0x206: {  	v4 =	vld [tilespmem:s20+$0xA0B0]  }
0x207: {  	v5 =	vld [tilespmem:s20+$0xA0C0]  }
0x208: {  	v6 =	vld [tilespmem:s20+$0xA0D0]  }
0x209: {  	v7 =	vld [tilespmem:s20+$0xA0E0]  }
0x20a: {  	v8 =	vld [tilespmem:s20+$0xA0F0]  }
0x20b: {  	v9 =	vld [tilespmem:s20+$0xA180]  }
0x20c: {  	v10 =	vld [tilespmem:s20+$0xA190]  }
0x20d: {  	v11 =	vld [tilespmem:s20+$0xA1A0]  }
0x20e: {  	v12 =	vld [tilespmem:s20+$0xA1B0]  }
0x20f: {  	v13 =	vld [tilespmem:s20+$0xA1C0]  }
0x210: {  	v14 =	vld [tilespmem:s20+$0xA1D0]  }
0x211: {  	s21 =	simm.s32 $0x200;
	v15 =	vld [tilespmem:s20+$0xA1E0]  }
0x212: {  	v16 =	vld [tilespmem:s21+$0xA1F0]  }
0x213: {  	v17 =	vld [tilespmem:s21+$0xA080]  }
0x214: {  	v18 =	vld [tilespmem:s21+$0xA090]  }
0x215: {  	v19 =	vld [tilespmem:s21+$0xA0A0];
	v0 =	vmul.f32 $8.192000000e+03, v0;
	v1 =	vmul.f32 $8.192000000e+03, v1  }
0x216: {  	v20 =	vld [tilespmem:s21+$0xA0B0];
	v2 =	vmul.f32 $8.192000000e+03, v2;
	v3 =	vmul.f32 $8.192000000e+03, v3  }
0x217: {  	v21 =	vld [tilespmem:s21+$0xA0C0];
	v4 =	vmul.f32 $8.192000000e+03, v4;
	v5 =	vmul.f32 $8.192000000e+03, v5  }
0x218: {  	v22 =	vld [tilespmem:s21+$0xA0D0];
	v6 =	vmul.f32 $8.192000000e+03, v6;
	v7 =	vmul.f32 $8.192000000e+03, v7  }
0x219: {  	v23 =	vld [tilespmem:s21+$0xA0E0];
	v8 =	vmul.f32 $8.192000000e+03, v8;
	v9 =	vmul.f32 $8.192000000e+03, v9  }
0x21a: {  	v24 =	vld [tilespmem:s21+$0xA0F0];
	v10 =	vmul.f32 $8.192000000e+03, v10;
	v11 =	vmul.f32 $8.192000000e+03, v11  }
0x21b: {  	v25 =	vld [tilespmem:s21+$0xA180];
	v12 =	vmul.f32 $8.192000000e+03, v12;
	v13 =	vmul.f32 $8.192000000e+03, v13  }
0x21c: {  	v26 =	vld [tilespmem:s21+$0xA190];
	v14 =	vmul.f32 $8.192000000e+03, v14;
	v15 =	vmul.f32 $8.192000000e+03, v15  }
0x21d: {  	v27 =	vld [tilespmem:s21+$0xA1A0];
	v16 =	vmul.f32 $8.192000000e+03, v16;
	v17 =	vmul.f32 $8.192000000e+03, v17  }
0x21e: {  	v29 =	vld [tilespmem:s21+$0xA1C0];
	v18 =	vmul.f32 $8.192000000e+03, v18;
	v19 =	vmul.f32 $8.192000000e+03, v19  }
0x21f: {  	v20 =	vmul.f32 $8.192000000e+03, v20;
	v21 =	vmul.f32 $8.192000000e+03, v21  }
0x220: {  	v22 =	vmul.f32 $8.192000000e+03, v22;
	v23 =	vmul.f32 $8.192000000e+03, v23  }
0x221: {  	v24 =	vmul.f32 $8.192000000e+03, v24;
	v25 =	vmul.f32 $8.192000000e+03, v25  }
0x222: {  	v26 =	vmul.f32 $8.192000000e+03, v26;
	v27 =	vmul.f32 $8.192000000e+03, v27  }
0x223: {  	v58 =	vmul.f32 $8.192000000e+03, v29;
	v0 =	vtrunc.f32 v0  }
0x224: {  	v1 =	vtrunc.f32 v1;
	v2 =	vtrunc.f32 v2  }
0x225: {  	v3 =	vtrunc.f32 v3;
	v4 =	vtrunc.f32 v4  }
0x226: {  	v5 =	vtrunc.f32 v5;
	v6 =	vtrunc.f32 v6  }
0x227: {  	v7 =	vtrunc.f32 v7;
	v8 =	vtrunc.f32 v8  }
0x228: {  	v9 =	vtrunc.f32 v9;
	v10 =	vtrunc.f32 v10  }
0x229: {  	v11 =	vtrunc.f32 v11;
	v12 =	vtrunc.f32 v12  }
0x22a: {  	v13 =	vtrunc.f32 v13;
	v14 =	vtrunc.f32 v14  }
0x22b: {  	v15 =	vtrunc.f32 v15;
	v16 =	vtrunc.f32 v16  }
0x22c: {  	v17 =	vtrunc.f32 v17;
	v18 =	vtrunc.f32 v18  }
0x22d: {  	v19 =	vtrunc.f32 v19;
	v20 =	vtrunc.f32 v20  }
0x22e: {  	v21 =	vtrunc.f32 v21;
	v22 =	vtrunc.f32 v22  }
0x22f: {  	v23 =	vtrunc.f32 v23;
	v24 =	vtrunc.f32 v24  }
0x230: {  	v25 =	vtrunc.f32 v25;
	v26 =	vtrunc.f32 v26  }
0x231: {  	v27 =	vtrunc.f32 v27;
	v0 =	vcvt.f32.s32 v0  }
0x232: {  	v1 =	vcvt.f32.s32 v1;
	v2 =	vcvt.f32.s32 v2  }
0x233: {  	v3 =	vcvt.f32.s32 v3;
	v4 =	vcvt.f32.s32 v4  }
0x234: {  	v5 =	vcvt.f32.s32 v5;
	v6 =	vcvt.f32.s32 v6  }
0x235: {  	v7 =	vcvt.f32.s32 v7;
	v8 =	vcvt.f32.s32 v8  }
0x236: {  	v9 =	vcvt.f32.s32 v9;
	v10 =	vcvt.f32.s32 v10  }
0x237: {  	v11 =	vcvt.f32.s32 v11;
	v12 =	vcvt.f32.s32 v12  }
0x238: {  	v13 =	vcvt.f32.s32 v13;
	v14 =	vcvt.f32.s32 v14  }
0x239: {  	v15 =	vcvt.f32.s32 v15;
	v16 =	vcvt.f32.s32 v16;
	vm0 =	vgt.s32 v0, $0x0  }
0x23a: {  	vm1 =	vgt.s32 v2, $0x0;
	vm2 =	vgt.s32 v3, $0x0;
	vm3 =	vgt.s32 v4, $0x0  }
0x23b: {  	vm4 =	vgt.s32 v5, $0x0;
	vm5 =	vgt.s32 v6, $0x0;
	vm6 =	vgt.s32 v7, $0x0  }
0x23c: {  	vm7 =	vgt.s32 v8, $0x0;
	vm8 =	vgt.s32 v9, $0x0;
	vm9 =	vgt.s32 v10, $0x0  }
0x23d: {  	vm10 =	vgt.s32 v11, $0x0;
	vm11 =	vgt.s32 v12, $0x0;
	vm12 =	vgt.s32 v13, $0x0  }
0x23e: {  	vm13 =	vgt.s32 v14, $0x0;
	vm14 =	vgt.s32 v15, $0x0;
	v0 =	vnsel vm0, $0x0, v0  }
0x23f: {  	vm0 =	vgt.s32 v1, $0x0;
	v2 =	vnsel vm1, $0x0, v2;
	v3 =	vnsel vm2, $0x0, v3  }
0x240: {  	v4 =	vnsel vm3, $0x0, v4;
	v5 =	vnsel vm4, $0x0, v5;
	v0 =	vmin.u32 v0, $0x1FFF  }
0x241: {  	v6 =	vnsel vm5, $0x0, v6;
	v7 =	vnsel vm6, $0x0, v7;
	v2 =	vmin.u32 v2, $0x1FFF  }
0x242: {  	v28 =	vld [tilespmem:s21+$0xA1B0];
	v8 =	vnsel vm7, $0x0, v8;
	v9 =	vnsel vm8, $0x0, v9;
	v3 =	vmin.u32 v3, $0x1FFF  }
0x243: {  	v30 =	vld [tilespmem:s21+$0xA1D0];
	v10 =	vnsel vm9, $0x0, v10;
	v11 =	vnsel vm10, $0x0, v11;
	v4 =	vmin.u32 v4, $0x1FFF  }
0x244: {  	v31 =	vld [tilespmem:s21+$0xA1E0];
	v12 =	vnsel vm11, $0x0, v12;
	v13 =	vnsel vm12, $0x0, v13;
	v5 =	vmin.u32 v5, $0x1FFF  }
0x245: {  	v1 =	vnsel vm0, $0x0, v1;
	vm0 =	vgt.s32 v16, $0x0;
	v6 =	vmin.u32 v6, $0x1FFF;
	v0 =	vld.idx.msk [tilespmem:v0+s4+$0x0], $0xffff  }
0x246: {  	v14 =	vnsel vm13, $0x0, v14;
	v7 =	vmin.u32 v7, $0x1FFF;
	v16 =	vnsel vm0, $0x0, v16;
	v2 =	vld.idx.msk [tilespmem:v2+s4+$0x0], $0xffff  }
0x247: {  	v8 =	vmin.u32 v8, $0x1FFF;
	v9 =	vmin.u32 v9, $0x1FFF;
	v16 =	vmin.u32 v16, $0x1FFF;
	v3 =	vld.idx.msk [tilespmem:v3+s4+$0x0], $0xffff  }
0x248: {  	v59 =	vmin.u32 v10, $0x1FFF;
	v10 =	vmul.f32 $8.192000000e+03, v30;
	v60 =	vmin.u32 v11, $0x1FFF;
	v4 =	vld.idx.msk [tilespmem:v4+s4+$0x0], $0xffff  }
0x249: {  	v11 =	vmul.f32 $8.192000000e+03, v31;
	v61 =	vmin.u32 v12, $0x1FFF;
	v1 =	vmin.u32 v1, $0x1FFF;
	v34 =	vld.idx.msk [tilespmem:v5+s4+$0x0], $0xffff  }
0x24a: {  	v37 =	vmin.u32 v14, $0x1FFF;
	v12 =	vcvt.f32.s32 v20;
	v14 =	vcvt.f32.s32 v22;
	v63 =	vld.idx.msk [tilespmem:v6+s4+$0x0], $0xffff  }
0x24b: {  	v35 =	vmin.u32 v13, $0x1FFF;
	v13 =	vcvt.f32.s32 v24;
	v5 =	vcvt.f32.s32 v19;
	v19 =	vld.idx.msk [tilespmem:v7+s4+$0x0], $0xffff;
	[tilespmem:s20+$0x121F0] =	vst v0  }
0x24c: {  	v15 =	vnsel vm14, $0x0, v15;
	v62 =	vtrunc.f32 v10;
	v36 =	vtrunc.f32 v11;
	v16 =	vld.idx.msk [tilespmem:v16+s4+$0x0], $0xffff;
	[tilespmem:s20+$0x12090] =	vst v2  }
0x24d: {  	v15 =	vmin.u32 v15, $0x1FFF;
	v10 =	vcvt.f32.s32 v21;
	v11 =	vcvt.f32.s32 v25;
	v21 =	vld.idx.msk [tilespmem:v8+s4+$0x0], $0xffff;
	[tilespmem:s20+$0x120A0] =	vst v3  }
0x24e: {  	vm3 =	vgt.s32 v12, $0x0;
	vm6 =	vgt.s32 v14, $0x0;
	v32 =	vld.idx.msk [tilespmem:v1+s4+$0x0], $0xffff;
	v1 =	vmul.f32 $8.192000000e+03, v28;
	[tilespmem:s20+$0x120B0] =	vst v4  }
0x24f: {  	vm7 =	vgt.s32 v13, $0x0;
	vm4 =	vgt.s32 v10, $0x0;
	v6 =	vcvt.f32.s32 v18;
	v18 =	vld.idx.msk [tilespmem:v60+s4+$0x0], $0xffff;
	[tilespmem:s20+$0x120C0] =	vst v34  }
0x250: {  	vm5 =	vgt.s32 v11, $0x0;
	v33 =	vtrunc.f32 v1;
	v1 =	vcvt.f32.s32 v17;
	v17 =	vld.idx.msk [tilespmem:v9+s4+$0x0], $0xffff;
	[tilespmem:s20+$0x120D0] =	vst v63  }
0x251: {  	v8 =	vcvt.f32.s32 v23;
	vm1 =	vgt.s32 v6, $0x0;
	v9 =	vcvt.f32.s32 v26;
	[tilespmem:s21+$0x121F0] =	vst v16;
	v16 =	vld.idx.msk [tilespmem:v59+s4+$0x0], $0xffff  }
0x252: {  	v20 =	vld.idx.msk [tilespmem:v61+s4+$0x0], $0xffff;
	vm2 =	vgt.s32 v5, $0x0;
	v7 =	vcvt.f32.s32 v33;
	v0 =	vtrunc.f32 v58;
	[tilespmem:s20+$0x120E0] =	vst v19  }
0x253: {  	vm8 =	vgt.s32 v8, $0x0;
	v4 =	vcvt.f32.s32 v27;
	v3 =	vcvt.f32.s32 v62;
	v19 =	vld.idx.msk [tilespmem:v35+s4+$0x0], $0xffff;
	[tilespmem:s20+$0x120F0] =	vst v21  }
0x254: {  	s22 =	simm.s32 $0x100;
	s23 =	simm.s32 $0x1000;
	vm0 =	vgt.s32 v1, $0x0;
	v21 =	vld.idx.msk [tilespmem:v37+s4+$0x0], $0xffff;
	[tilespmem:s20+$0x12080] =	vst v32;
	v2 =	vcvt.f32.s32 v0;
	v0 =	vcvt.f32.s32 v36  }
.LBB2_23:
0x255: {  	s24 =	sshra.s32 s23, $0x2;
	s22 =	sadd.s32 $0x100, s22;
	vm10 =	vgt.s32 v9, $0x0;
	vm11 =	vgt.s32 v4, $0x0;
	vm12 =	vgt.s32 v7, $0x0;
	[tilespmem:s20+$0x12180] =	vst v17;
	v15 =	vld.idx.msk [tilespmem:v15+s4+$0x0], $0xffff  }
0x256: {  	vm13 =	vgt.s32 v2, $0x0;
	vm14 =	vgt.s32 v3, $0x0;
	vm9 =	vgt.s32 v0, $0x0;
	v17 =	vld [tilespmem:s24+$0xA1F0];
	p1 =	slt.u32 s22, $0x3F00;
	[tilespmem:s20+$0x12190] =	vst v16  }
0x257: {  	v1 =	vnsel vm0, $0x0, v1;
	v6 =	vnsel vm1, $0x0, v6;
	v5 =	vnsel vm2, $0x0, v5;
	v16 =	vld [tilespmem:s24+$0xA080];
	[tilespmem:s20+$0x121A0] =	vst v18  }
0x258: {  	v12 =	vnsel vm3, $0x0, v12;
	v10 =	vnsel vm4, $0x0, v10;
	v14 =	vnsel vm6, $0x0, v14;
	v18 =	vld [tilespmem:s24+$0xA090];
	[tilespmem:s20+$0x121B0] =	vst v20  }
0x259: {  	v8 =	vnsel vm8, $0x0, v8;
	v13 =	vnsel vm7, $0x0, v13;
	v11 =	vnsel vm5, $0x0, v11;
	v20 =	vld [tilespmem:s24+$0xA0A0];
	[tilespmem:s20+$0x121C0] =	vst v19  }
0x25a: {  	v9 =	vnsel vm10, $0x0, v9;
	v4 =	vnsel vm11, $0x0, v4;
	v7 =	vnsel vm12, $0x0, v7;
	v19 =	vld [tilespmem:s24+$0xA0B0];
	[tilespmem:s20+$0x121D0] =	vst v21  }
0x25b: {  	v2 =	vnsel vm13, $0x0, v2;
	v3 =	vnsel vm14, $0x0, v3;
	v21 =	vld [tilespmem:s24+$0xA0C0];
	v17 =	vmul.f32 $8.192000000e+03, v17;
	[tilespmem:s20+$0x121E0] =	vst v15;
	s20 =	smov.u32 s21;
	s21 =	smov.u32 s24  }
0x25c: {  	v1 =	vmin.u32 v1, $0x1FFF;
	v0 =	vnsel vm9, $0x0, v0;
	v15 =	vmul.f32 $8.192000000e+03, v16;
	v16 =	vld [tilespmem:s21+$0xA0D0]  }
0x25d: {  	v6 =	vmin.u32 v6, $0x1FFF;
	v18 =	vmul.f32 $8.192000000e+03, v18;
	v22 =	vld [tilespmem:s21+$0xA0E0];
	v17 =	vtrunc.f32 v17  }
0x25e: {  	v5 =	vmin.u32 v5, $0x1FFF;
	v20 =	vmul.f32 $8.192000000e+03, v20;
	v23 =	vld [tilespmem:s21+$0xA0F0];
	v17 =	vcvt.f32.s32 v17  }
0x25f: {  	v12 =	vmin.u32 v12, $0x1FFF;
	v15 =	vtrunc.f32 v15;
	v19 =	vmul.f32 $8.192000000e+03, v19;
	v24 =	vld [tilespmem:s21+$0xA180]  }
0x260: {  	v18 =	vtrunc.f32 v18;
	v21 =	vmul.f32 $8.192000000e+03, v21;
	v25 =	vld [tilespmem:s21+$0xA190];
	vm0 =	vgt.s32 v17, $0x0  }
0x261: {  	v20 =	vtrunc.f32 v20;
	v16 =	vmul.f32 $8.192000000e+03, v16;
	v26 =	vld [tilespmem:s21+$0xA1A0];
	v17 =	vnsel vm0, $0x0, v17  }
0x262: {  	v19 =	vtrunc.f32 v19;
	v22 =	vmul.f32 $8.192000000e+03, v22;
	v27 =	vld [tilespmem:s21+$0xA1B0];
	v17 =	vmin.u32 v17, $0x1FFF  }
0x263: {  	v10 =	vmin.u32 v10, $0x1FFF;
	v21 =	vtrunc.f32 v21;
	v23 =	vmul.f32 $8.192000000e+03, v23;
	v28 =	vld [tilespmem:s21+$0xA1C0]  }
0x264: {  	v14 =	vmin.u32 v14, $0x1FFF;
	v16 =	vtrunc.f32 v16;
	v24 =	vmul.f32 $8.192000000e+03, v24;
	v29 =	vld [tilespmem:s21+$0xA1D0]  }
0x265: {  	v8 =	vmin.u32 v8, $0x1FFF;
	v22 =	vtrunc.f32 v22;
	v25 =	vmul.f32 $8.192000000e+03, v25;
	v30 =	vld [tilespmem:s21+$0xA1E0]  }
0x266: {  	v13 =	vmin.u32 v13, $0x1FFF;
	v23 =	vtrunc.f32 v23;
	v26 =	vmul.f32 $8.192000000e+03, v26;
	v31 =	vld.idx.msk [tilespmem:v1+s4+$0x0], $0xffff  }
0x267: {  	v11 =	vmin.u32 v11, $0x1FFF;
	v24 =	vtrunc.f32 v24;
	v1 =	vmul.f32 $8.192000000e+03, v27;
	v17 =	vld.idx.msk [tilespmem:v17+s4+$0x0], $0xffff  }
0x268: {  	v9 =	vmin.u32 v9, $0x1FFF;
	v25 =	vtrunc.f32 v25;
	v27 =	vmul.f32 $8.192000000e+03, v28;
	v28 =	vld.idx.msk [tilespmem:v6+s4+$0x0], $0xffff  }
0x269: {  	v32 =	vmin.u32 v4, $0x1FFF;
	v26 =	vtrunc.f32 v26;
	v6 =	vmul.f32 $8.192000000e+03, v29;
	v29 =	vld.idx.msk [tilespmem:v5+s4+$0x0], $0xffff  }
0x26a: {  	v34 =	vmin.u32 v7, $0x1FFF;
	v33 =	vtrunc.f32 v1;
	v4 =	vmul.f32 $8.192000000e+03, v30;
	v30 =	vld.idx.msk [tilespmem:v12+s4+$0x0], $0xffff  }
0x26b: {  	v36 =	vmin.u32 v2, $0x1FFF;
	v27 =	vtrunc.f32 v27;
	v35 =	vtrunc.f32 v6;
	v7 =	vld.idx.msk [tilespmem:v10+s4+$0x0], $0xffff  }
0x26c: {  	v38 =	vmin.u32 v3, $0x1FFF;
	v1 =	vcvt.f32.s32 v15;
	v37 =	vtrunc.f32 v4;
	[tilespmem:s20+$0x12080] =	vst v31;
	v31 =	vld.idx.msk [tilespmem:v14+s4+$0x0], $0xffff  }
0x26d: {  	v5 =	vcvt.f32.s32 v20;
	v15 =	vmin.u32 v0, $0x1FFF;
	v6 =	vcvt.f32.s32 v18;
	[tilespmem:s21+$0x121F0] =	vst v17;
	v39 =	vld.idx.msk [tilespmem:v8+s4+$0x0], $0xffff  }
0x26e: {  	v12 =	vcvt.f32.s32 v19;
	vm0 =	vgt.s32 v1, $0x0;
	v10 =	vcvt.f32.s32 v21;
	[tilespmem:s20+$0x12090] =	vst v28;
	v21 =	vld.idx.msk [tilespmem:v13+s4+$0x0], $0xffff  }
0x26f: {  	v14 =	vcvt.f32.s32 v16;
	vm1 =	vgt.s32 v6, $0x0;
	v8 =	vcvt.f32.s32 v22;
	[tilespmem:s20+$0x120A0] =	vst v29;
	v17 =	vld.idx.msk [tilespmem:v11+s4+$0x0], $0xffff  }
.Ltmp12:
0x270: {  	vm2 =	vgt.s32 v5, $0x0;
	v13 =	vcvt.f32.s32 v23;
	v11 =	vcvt.f32.s32 v24;
	[tilespmem:s20+$0x120B0] =	vst v30;
	v16 =	vld.idx.msk [tilespmem:v9+s4+$0x0], $0xffff;
	(pc) =	sbr.rel @p1 .LBB2_23-.Ltmp12, $4  }
0x271: {  	vm3 =	vgt.s32 v12, $0x0;
	v4 =	vcvt.f32.s32 v26;
	v9 =	vcvt.f32.s32 v25;
	[tilespmem:s20+$0x120C0] =	vst v7;
	v18 =	vld.idx.msk [tilespmem:v32+s4+$0x0], $0xffff  }
0x272: {  	v2 =	vcvt.f32.s32 v27;
	vm4 =	vgt.s32 v10, $0x0;
	v7 =	vcvt.f32.s32 v33;
	[tilespmem:s20+$0x120D0] =	vst v31;
	v20 =	vld.idx.msk [tilespmem:v34+s4+$0x0], $0xffff  }
0x273: {  	v3 =	vcvt.f32.s32 v35;
	v0 =	vcvt.f32.s32 v37;
	vm6 =	vgt.s32 v14, $0x0;
	[tilespmem:s20+$0x120E0] =	vst v39;
	v19 =	vld.idx.msk [tilespmem:v36+s4+$0x0], $0xffff  }
0x274: {  	s23 =	sadd.s32 $0x800, s23;
	vm8 =	vgt.s32 v8, $0x0;
	vm7 =	vgt.s32 v13, $0x0;
	vm5 =	vgt.s32 v11, $0x0;
	[tilespmem:s20+$0x120F0] =	vst v21;
	v21 =	vld.idx.msk [tilespmem:v38+s4+$0x0], $0xffff  }
0x275: {  	v1 =	vnsel vm0, $0x0, v1  }
0x276: {  	v6 =	vnsel vm1, $0x0, v6;
	v1 =	vmin.u32 v1, $0x1FFF  }
0x277: {  	v5 =	vnsel vm2, $0x0, v5;
	v6 =	vmin.u32 v6, $0x1FFF  }
0x278: {  	v12 =	vnsel vm3, $0x0, v12;
	v5 =	vmin.u32 v5, $0x1FFF  }
0x279: {  	[tilespmem:s20+$0x12180] =	vst v17;
	v10 =	vnsel vm4, $0x0, v10;
	v12 =	vmin.u32 v12, $0x1FFF  }
0x27a: {  	v15 =	vld.idx.msk [tilespmem:v15+s4+$0x0], $0xffff;
	[tilespmem:s20+$0x12190] =	vst v16;
	v14 =	vnsel vm6, $0x0, v14;
	v10 =	vmin.u32 v10, $0x1FFF  }
0x27b: {  	v8 =	vnsel vm8, $0x0, v8;
	[tilespmem:s20+$0x121A0] =	vst v18;
	v14 =	vmin.u32 v14, $0x1FFF;
	v1 =	vld.idx.msk [tilespmem:v1+s4+$0x0], $0xffff  }
0x27c: {  	v13 =	vnsel vm7, $0x0, v13;
	v8 =	vmin.u32 v8, $0x1FFF;
	[tilespmem:s20+$0x121B0] =	vst v20;
	v6 =	vld.idx.msk [tilespmem:v6+s4+$0x0], $0xffff  }
0x27d: {  	vm10 =	vgt.s32 v9, $0x0;
	v11 =	vnsel vm5, $0x0, v11;
	v13 =	vmin.u32 v13, $0x1FFF;
	[tilespmem:s20+$0x121C0] =	vst v19;
	v5 =	vld.idx.msk [tilespmem:v5+s4+$0x0], $0xffff  }
0x27e: {  	vm11 =	vgt.s32 v4, $0x0;
	v9 =	vnsel vm10, $0x0, v9;
	v11 =	vmin.u32 v11, $0x1FFF;
	[tilespmem:s20+$0x121D0] =	vst v21;
	v12 =	vld.idx.msk [tilespmem:v12+s4+$0x0], $0xffff  }
0x27f: {  	vm12 =	vgt.s32 v7, $0x0;
	v4 =	vnsel vm11, $0x0, v4;
	v9 =	vmin.u32 v9, $0x1FFF;
	[tilespmem:s20+$0x121E0] =	vst v15;
	v10 =	vld.idx.msk [tilespmem:v10+s4+$0x0], $0xffff  }
0x280: {  	vm13 =	vgt.s32 v2, $0x0;
	v7 =	vnsel vm12, $0x0, v7;
	v4 =	vmin.u32 v4, $0x1FFF;
	v60 =	vld.idx.msk [tilespmem:v14+s4+$0x0], $0xffff;
	[tilespmem:s21+$0x12080] =	vst v1  }
0x281: {  	vm14 =	vgt.s32 v3, $0x0;
	v2 =	vnsel vm13, $0x0, v2;
	v7 =	vmin.u32 v7, $0x1FFF;
	v8 =	vld.idx.msk [tilespmem:v8+s4+$0x0], $0xffff;
	[tilespmem:s21+$0x12090] =	vst v6  }
0x282: {  	vm15 =	vgt.s32 v0, $0x0;
	v3 =	vnsel vm14, $0x0, v3;
	v2 =	vmin.u32 v2, $0x1FFF;
	v61 =	vld.idx.msk [tilespmem:v13+s4+$0x0], $0xffff;
	[tilespmem:s21+$0x120A0] =	vst v5  }
0x283: {  	v0 =	vnsel vm15, $0x0, v0;
	v3 =	vmin.u32 v3, $0x1FFF;
	v62 =	vld.idx.msk [tilespmem:v11+s4+$0x0], $0xffff;
	[tilespmem:s21+$0x120B0] =	vst v12  }
0x284: {  	v0 =	vmin.u32 v0, $0x1FFF;
	v9 =	vld.idx.msk [tilespmem:v9+s4+$0x0], $0xffff;
	[tilespmem:s21+$0x120C0] =	vst v10  }
0x285: {  	v4 =	vld.idx.msk [tilespmem:v4+s4+$0x0], $0xffff;
	[tilespmem:s21+$0x120D0] =	vst v60  }
0x286: {  	v63 =	vld.idx.msk [tilespmem:v7+s4+$0x0], $0xffff;
	[tilespmem:s21+$0x120E0] =	vst v8  }
0x287: {  	v2 =	vld.idx.msk [tilespmem:v2+s4+$0x0], $0xffff;
	[tilespmem:s21+$0x120F0] =	vst v61  }
0x288: {  	v3 =	vld.idx.msk [tilespmem:v3+s4+$0x0], $0xffff;
	[tilespmem:s21+$0x12180] =	vst v62  }
0x289: {  	v0 =	vld.idx.msk [tilespmem:v0+s4+$0x0], $0xffff;
	[tilespmem:s21+$0x12190] =	vst v9  }
0x28a: {  	[tilespmem:s21+$0x121A0] =	vst v4  }
0x28b: {  	[tilespmem:s21+$0x121B0] =	vst v63  }
0x28c: {  	[tilespmem:s21+$0x121C0] =	vst v2  }
0x28d: {  	s19 =	sadd.s32 s19, s9;
	s22 =	simm.s32 $0x12180;
	[tilespmem:s21+$0x121D0] =	vst v3  }
0x28e: {  	s23 =	sadd.s32 $0x0, s19;
	s20 =	simm.s32 $0x12080;
	[tilespmem:s21+$0x121E0] =	vst v0;
	s21 =	simm.s32 $0x10  }
.LBB2_25:
0x28f: {  	[hbm4b:s23+s4] =	stream.linear.scatter [tilespmem:s20], [sflag:$0x4], $0x80, $0x38;
	[tilespmem:$0x1A000] =	vst v63  }
0x290: {  	s23 =	smov.u32 s21;
	s20 =	smov.u32 s22;
	p1 =	sne.s32 s21, $0x7F0  }
.Ltmp13:
0x291: {  	s21 =	sadd.s32 $0x10, s21;
	(pc) =	sbr.rel @p1 .LBB2_25-.Ltmp13, $2  }
0x292: {  	_ =	sdelay $0x2  }
0x293: {  	s22 =	sadd.s32 $0x100, s22;
	s23 =	sadd.s32 s23, s19  }
.Ltmp14:
0x294: {  	(pc) =	sbr.rel @p0 .LBB2_30-.Ltmp14, $2  }
0x295: {  	_ =	sdelay $0x2  }
0x296: {  	[hbm4b:s23+s4] =	stream.linear.scatter [tilespmem:s20], [sflag:$0x4], $0x80, $0x38;
	[tilespmem:$0x1A000] =	vst v63  }
0x297: {  	s18 =	sadd.s32 s1, s18  }
0x298: {  	s19 =	simm.s32 $0x2080;
	s18 =	sadd.s32 $0x3000, s18  }
0x299: {  	s20 =	simm.s32 $0x10;
	s21 =	simm.s32 $0x2180;
	s22 =	sadd.s32 $0x0, s18  }
.LBB2_28:
0x29a: {  	[tilespmem:s19], [sflag:$0x2] =	stream.linear.gather [hbm4b:s22+s4], $0x80, $0x38;
	[tilespmem:$0x1A000] =	vst v63  }
0x29b: {  	s22 =	smov.u32 s20;
	s19 =	smov.u32 s21;
	p0 =	sne.s32 s20, $0xFF0  }
.Ltmp15:
0x29c: {  	s20 =	sadd.s32 $0x10, s20;
	(pc) =	sbr.rel @p0 .LBB2_28-.Ltmp15, $2  }
0x29d: {  	_ =	sdelay $0x2  }
0x29e: {  	s21 =	sadd.s32 $0x100, s21;
	s22 =	sadd.s32 s22, s18  }
.Ltmp16:
0x29f: {  	(pc) =	sbr.rel .LBB2_6-.Ltmp16, $3  }
0x2a0: {  	_ =	sdelay $0x1  }
0x2a1: {  	[tilespmem:s19], [sflag:$0x2] =	stream.linear.gather [hbm4b:s22+s4], $0x80, $0x38;
	[tilespmem:$0x1A000] =	vst v63  }
0x2a2: {  	s17 =	sadd.s32 $0x1, s17  }
.LBB2_31:
0x2a3: {  	_ =	sfence.sel $0x180000  }
0x2a4: {  	[bflag:$0x0] =	sbarrier.arrive $0xFFFF  }
0x2a5: {  	p0 =	sne.s32 s2, $0x0;
	_ =	strace $0x90000047  }
0x2a6: {  	s0 =	sadd.s32 @!p0 $0x100000, s0;
	[bflag:$0x2] =	sbarrier.arrive $0xFFFF  }
0x2a7: {  	[sflag:s0] =	ssyncadd.tile.s32 @!p0 $0x1;
	_ =	shalt  }
.Lfunc_end2:
_tile_overlayer_lowered:
.L_overlay_start_2:
0x2a8: {  	(tag) =	ssettag $0x2  }
0x2a9: {  	s0 =	rddreg [dreg:$0x0];
	s2 =	stileid.u32  }
0x2aa: {  	s1 =	rddreg [dreg:$0x1];
	p0 =	sne.s32 s2, $0x0  }
0x2ab: {  	s3 =	rddreg [dreg:$0x2];
	[bflag:$0x3] =	sbarrier.arrive $0xFFFF;
	s2 =	simm.s32 @!p0 $0x1C05  }
0x2ac: {  	[timem:s3], [sflag:s2] =	dma.local @!p0 [hbm:s0], s1  }
0x2ad: {  	s0 =	simm.s32 @!p0 $0x5  }
0x2ae: {  	_ =	swait.ge @!p0 [sflag:s0], s1  }
0x2af: {  	s1 =	ssub.s32 @!p0 $0x0, s1;
	[sflag:s0] =	ssyncset.done @!p0 $0x0  }
0x2b0: {  	[sflag:s0] =	ssyncadd.s32 @!p0 s1  }
0x2b1: {  	[bflag:$0x3] =	sbarrier.arrive $0xFFFF  }
0x2b2: {  	_ =	shalt  }

</sc_bundles>
